<compile_context>
chip_gen: v7x
topology: tpu7x:2x2x1
jax: 0.10.2.dev20260603
libtpu: 0.0.44.dev20260713+nightly
codegen_flags: <defaults>
</compile_context>

<pallas_src>
import jax
import jax.numpy as jnp
from jax import lax
from jax.experimental import pallas as pl
from jax.experimental.pallas import tpu as pltpu
from jax.experimental.pallas import tpu_sc as plsc

B, NPG, N, E = 200, 50, 10000, 320000
HID = 64
EB = 3200
W = 128
XO = 64

NC, NS = 2, 16
NW = NC * NS
EPW = E // NW
CH = 80
CPW = EPW // CH
NDBL = CPW // 2

NH = N // NC
DUMMY = NH
AROWS = NH + 8
EPT = E // NS
CPT = EPT // CH
ZR2 = 8
NWB = 5
NPT = NH // NWB


def _silu(v):
    return v * jax.nn.sigmoid(v)



def _row_add(dst_buf, src_buf):
    def body(r, carry):
        for k in range(W // 16):
            sl = slice(16 * k, 16 * (k + 1))
            dst_buf[r, sl] = dst_buf[r, sl] + src_buf[r, sl]
        return carry
    lax.fori_loop(0, CH, body, 0)


def _sc_gather_body(ts_hbm, td_hbm, src_hbm, dst_hbm, gsum_hbm,
                    idx_s, idx_d, bs0, bd0, bs1, bd1, sem, sem_wo):
    wid = lax.axis_index("c") * NS + lax.axis_index("s")
    pltpu.sync_copy(src_hbm.at[wid], idx_s)
    pltpu.sync_copy(dst_hbm.at[wid], idx_d)

    def dbl(i, carry):
        a, b = 2 * i, 2 * i + 1
        hs_a = pltpu.async_copy(ts_hbm.at[idx_s.at[a]], bs0, sem)
        hd_a = pltpu.async_copy(td_hbm.at[idx_d.at[a]], bd0, sem)
        hs_b = pltpu.async_copy(ts_hbm.at[idx_s.at[b]], bs1, sem)
        hd_b = pltpu.async_copy(td_hbm.at[idx_d.at[b]], bd1, sem)
        hs_a.wait()
        hd_a.wait()
        _row_add(bs0, bd0)
        w0 = pltpu.async_copy(bs0, gsum_hbm.at[pl.ds(wid * EPW + a * CH, CH)],
                              sem_wo)
        hs_b.wait()
        hd_b.wait()
        _row_add(bs1, bd1)
        w1 = pltpu.async_copy(bs1, gsum_hbm.at[pl.ds(wid * EPW + b * CH, CH)],
                              sem_wo)
        w0.wait()
        w1.wait()
        return carry

    lax.fori_loop(0, NDBL, dbl, 0)
    g = CPW - 1
    hs = pltpu.async_copy(ts_hbm.at[idx_s.at[g]], bs0, sem)
    hd = pltpu.async_copy(td_hbm.at[idx_d.at[g]], bd0, sem)
    hs.wait()
    hd.wait()
    _row_add(bs0, bd0)
    pltpu.sync_copy(bs0, gsum_hbm.at[pl.ds(wid * EPW + g * CH, CH)])


def _sc_gather(table_s, table_d, src3d, dst3d):
    mesh = plsc.VectorSubcoreMesh(core_axis_name="c", subcore_axis_name="s")
    f = pl.kernel(
        _sc_gather_body,
        mesh=mesh,
        out_type=jax.ShapeDtypeStruct((E, W), jnp.float32),
        scratch_types=[
            pltpu.VMEM((CPW, CH), jnp.int32),
            pltpu.VMEM((CPW, CH), jnp.int32),
            pltpu.VMEM((CH, W), jnp.float32),
            pltpu.VMEM((CH, W), jnp.float32),
            pltpu.VMEM((CH, W), jnp.float32),
            pltpu.VMEM((CH, W), jnp.float32),
            pltpu.SemaphoreType.DMA,
            pltpu.SemaphoreType.DMA,
        ],
    )
    return f(table_s, table_d, src3d, dst3d)



def _sc_scatter_body(rows_hbm, dstl_hbm, out_hbm, idx_d, buf0, buf1, zbuf,
                     acc, sem, sem_sc):
    cid = lax.axis_index("c")
    sid = lax.axis_index("s")

    def zrow(j, carry):
        for k in range(W // 16):
            zbuf[j, 16 * k:16 * (k + 1)] = jnp.zeros((16,), jnp.float32)
        return carry

    lax.fori_loop(0, ZR2, zrow, 0)

    @pl.when(sid < NWB)
    def _zero():
        def zcopy(t, carry):
            pltpu.sync_copy(zbuf, acc.at[pl.ds(sid * NPT + t * ZR2, ZR2)])
            return carry
        lax.fori_loop(0, NPT // ZR2, zcopy, 0)

    @pl.when(sid == NWB)
    def _zero_dummy():
        pltpu.sync_copy(zbuf, acc.at[pl.ds(NH, AROWS - NH)])

    plsc.subcore_barrier()

    pltpu.sync_copy(dstl_hbm.at[cid, sid], idx_d)

    def dbl(i, carry):
        a, b = 2 * i, 2 * i + 1
        ha = pltpu.async_copy(
            rows_hbm.at[pl.ds(sid * EPT + a * CH, CH)], buf0, sem)
        hb = pltpu.async_copy(
            rows_hbm.at[pl.ds(sid * EPT + b * CH, CH)], buf1, sem)
        ha.wait()
        sa = pltpu.async_copy(buf0, acc.at[idx_d.at[a]], sem_sc, add=True)
        hb.wait()
        sb = pltpu.async_copy(buf1, acc.at[idx_d.at[b]], sem_sc, add=True)
        sa.wait()
        sb.wait()
        return carry

    lax.fori_loop(0, CPT // 2, dbl, 0)
    plsc.subcore_barrier()

    @pl.when(sid < NWB)
    def _writeback():
        pltpu.sync_copy(acc.at[pl.ds(sid * NPT, NPT)],
                        out_hbm.at[pl.ds(cid * NH + sid * NPT, NPT)])


def _sc_scatter(rows, dstl):
    mesh = plsc.VectorSubcoreMesh(core_axis_name="c", subcore_axis_name="s")
    f = pl.kernel(
        _sc_scatter_body,
        mesh=mesh,
        out_type=jax.ShapeDtypeStruct((N, W), jnp.float32),
        scratch_types=[
            pltpu.VMEM((CPT, CH), jnp.int32),
            pltpu.VMEM((CH, W), jnp.float32),
            pltpu.VMEM((CH, W), jnp.float32),
            pltpu.VMEM((ZR2, W), jnp.float32),
            pltpu.VMEM_SHARED((AROWS, W), jnp.float32),
            pltpu.SemaphoreType.DMA,
            pltpu.SemaphoreType.DMA,
        ],
    )
    return f(rows, dstl)



def _edge_kernel(gsum_ref, e_ref, w2_ref, cw1_ref, vecs_ref, out_ref):
    gsum = gsum_ref[...]
    vecs = vecs_ref[...]
    g = gsum[:, :HID]
    xd = gsum[:, XO:XO + 8]
    radial = jnp.sum(xd * xd, axis=1, keepdims=True)
    e = e_ref[...]
    pre1 = g + radial * vecs[0:1, :] + e * vecs[1:2, :] + vecs[2:3, :]
    m1 = _silu(pre1)
    m = _silu(jnp.dot(m1, w2_ref[...], preferred_element_type=jnp.float32)
              + vecs[3:4, :])
    c1 = _silu(jnp.dot(m, cw1_ref[...], preferred_element_type=jnp.float32)
               + vecs[4:5, :])
    c = jnp.sum(c1 * vecs[5:6, :], axis=1, keepdims=True)
    msg = xd * (c / (jnp.sqrt(radial) + 1e-30))
    out_ref[...] = jnp.concatenate(
        [m, msg, jnp.zeros((EB, W - HID - 8), jnp.float32)], axis=1)


def _edge_mlp(gsum, e_attr, w2, cw1, vecs):
    return pl.pallas_call(
        _edge_kernel,
        grid=(E // EB,),
        in_specs=[
            pl.BlockSpec((EB, W), lambda i: (i, 0)),
            pl.BlockSpec((EB, 1), lambda i: (i, 0)),
            pl.BlockSpec((HID, HID), lambda i: (0, 0)),
            pl.BlockSpec((HID, HID), lambda i: (0, 0)),
            pl.BlockSpec((8, HID), lambda i: (0, 0)),
        ],
        out_specs=pl.BlockSpec((EB, W), lambda i: (i, 0)),
        out_shape=jax.ShapeDtypeStruct((E, W), jnp.float32),
    )(gsum, e_attr, w2, cw1, vecs)



def kernel(node_x, edge_index, edge_attr, sequence_data, peptide_property, params):
    src = edge_index[0].astype(jnp.int32)
    dst = edge_index[1].astype(jnp.int32)
    src3d = src.reshape(NW, CPW, CH)
    dst3d = dst.reshape(NW, CPW, CH)
    dstl = jnp.stack([
        jnp.where(dst < NH, dst, DUMMY),
        jnp.where(dst >= NH, dst - NH, DUMMY),
    ]).reshape(NC, NS, CPT, CH)
    h = jnp.pad(node_x[:, :20], ((0, 0), (0, HID - 20)))
    x = node_x[:, 20:]

    ws_l, wd_l, vecs_l, w2_l, cw1_l = [], [], [], [], []
    n1a_l, n1b_l, nb1_l, nw2_l, nb2_l = [], [], [], [], []
    for p in params['egnn']:
        ins = p['e_w1'].shape[0] // 2 - 1
        pad = HID - ins
        ws_l.append(jnp.pad(p['e_w1'][:ins], ((0, pad), (0, 0))))
        wd_l.append(jnp.pad(p['e_w1'][ins:2 * ins], ((0, pad), (0, 0))))
        vecs = jnp.stack([
            p['e_w1'][2 * ins],
            p['e_w1'][2 * ins + 1],
            p['e_b1'],
            p['e_b2'],
            p['c_b1'],
            p['c_w2'][:, 0],
        ])
        vecs_l.append(jnp.concatenate(
            [vecs, jnp.zeros((2, HID), jnp.float32)], axis=0))
        w2_l.append(p['e_w2'])
        cw1_l.append(p['c_w1'])
        n1a_l.append(jnp.pad(p['n_w1'][:ins], ((0, pad), (0, 0))))
        n1b_l.append(p['n_w1'][ins:])
        nb1_l.append(p['n_b1'])
        nw2_l.append(p['n_w2'])
        nb2_l.append(p['n_b2'])
    stacked = tuple(jnp.stack(a) for a in
                    (ws_l, wd_l, vecs_l, w2_l, cw1_l,
                     n1a_l, n1b_l, nb1_l, nw2_l, nb2_l))

    def layer(carry, wts):
        h, x = carry
        ws, wd, vecs, w2, cw1, n1a, n1b, nb1, nw2, nb2 = wts
        zpad = jnp.zeros((N, W - HID - 3), jnp.float32)
        table_s = jnp.concatenate([h @ ws, x, zpad], axis=1)
        table_d = jnp.concatenate([h @ wd, -x, zpad], axis=1)
        gsum = _sc_gather(table_s, table_d, src3d, dst3d)
        out128 = _edge_mlp(gsum, edge_attr, w2, cw1, vecs)
        agg = _sc_scatter(out128, dstl)
        h_neigh = agg[:, :HID]
        x_neigh = agg[:, XO:XO + 3]
        h_out = _silu(h @ n1a + h_neigh @ n1b + nb1)
        return (h_out @ nw2 + nb2, x + x_neigh), None

    (h, x), _ = lax.scan(layer, (h, x), stacked)

    hb = h.reshape(B, NPG, HID)
    a = params['attn']
    q = hb @ a['q_w'] + a['q_b']
    k = hb @ a['k_w'] + a['k_b']
    v_ = hb @ a['v_w'] + a['v_b']
    scores = (q @ jnp.swapaxes(k, 1, 2)) / jnp.sqrt(jnp.float32(HID))
    attw = jax.nn.softmax(scores, axis=-1)
    x_gat = jnp.mean(attw @ v_, axis=1)

    v = params['vae']
    h1 = jax.nn.relu(sequence_data @ v['fc1_w'] + v['fc1_b'])
    mu = h1 @ v['fc21_w'] + v['fc21_b']
    logvar = h1 @ v['fc22_w'] + v['fc22_b']
    std = jnp.exp(0.5 * logvar)
    eps = jax.random.normal(jax.random.key(42), std.shape, jnp.float32)
    z = mu + eps * std
    pr = params['prop']
    pe = jax.nn.relu(peptide_property @ pr['w1'] + pr['b1'])
    pe = jax.nn.relu(pe @ pr['w2'] + pr['b2'])
    z_vae = jnp.concatenate([z, pe], axis=1)
    h3 = jax.nn.relu(z_vae @ v['fc3_w'] + v['fc3_b'])
    recon_x = h3 @ v['fc4_w'] + v['fc4_b']
    combined = jnp.concatenate([x_gat, z_vae, x_gat, z_vae], axis=1)
    c = params['clf']
    final_output = (jax.nn.relu(combined @ c['w1'] + c['b1']) @ c['w2']
                    + c['b2'])
    return (recon_x, mu, logvar, final_output)

# --- scband reference (transcript-rebuilt; emitter-appended) ---
"""Pipeline reference for scband-hybrid-model-comparative-32461362823536 (READ-ONLY COPY).

The authoritative reference and input builder live on the scoring server;
editing this copy changes nothing except your own understanding.
"""

import jax, jax.numpy as jnp
import numpy as np

B, NPG, N, E = 200, 50, 10000, 320000
HID, VIN, VH, VL, PE = 64, 1024, 512, 32, 8


def _lin(key, i, o, scale=0.02):
    kw, kb = jax.random.split(key)
    return (jax.random.normal(kw, (i, o), jnp.float32) * scale,
            jnp.zeros((o,), jnp.float32))


def _make_params(key):
    keys = iter(jax.random.split(key, 80))
    egnn = []
    for li in range(6):
        ins = 20 if li == 0 else HID
        p = {}
        p['e_w1'], p['e_b1'] = _lin(next(keys), ins * 2 + 1 + 1, HID)
        p['e_w2'], p['e_b2'] = _lin(next(keys), HID, HID)
        p['n_w1'], p['n_b1'] = _lin(next(keys), ins + HID, HID)
        p['n_w2'], p['n_b2'] = _lin(next(keys), HID, HID)
        p['c_w1'], p['c_b1'] = _lin(next(keys), HID, HID)
        p['c_w2'] = jax.random.normal(next(keys), (HID, 1), jnp.float32) * 0.02
        egnn.append(p)
    attn = {}
    for nm in ('q', 'k', 'v'):
        attn[nm + '_w'], attn[nm + '_b'] = _lin(next(keys), HID, HID)
    vae = {}
    vae['fc1_w'], vae['fc1_b'] = _lin(next(keys), VIN, VH)
    vae['fc21_w'], vae['fc21_b'] = _lin(next(keys), VH, VL)
    vae['fc22_w'], vae['fc22_b'] = _lin(next(keys), VH, VL)
    vae['fc3_w'], vae['fc3_b'] = _lin(next(keys), VL + PE, VH)
    vae['fc4_w'], vae['fc4_b'] = _lin(next(keys), VH, VIN)
    prop = {}
    prop['w1'], prop['b1'] = _lin(next(keys), 2, 32)
    prop['w2'], prop['b2'] = _lin(next(keys), 32, PE)
    clf = {}
    clf['w1'], clf['b1'] = _lin(next(keys), (VL + PE + HID) * 2, 32)
    clf['w2'], clf['b2'] = _lin(next(keys), 32, 1)
    return {'egnn': egnn, 'attn': attn, 'vae': vae, 'prop': prop, 'clf': clf}


def _egnn_layer(p, src, dst, h, x, e):
    # DGL EGNNConv semantics: u_sub_v coord diff, radial, edge/coord/node MLPs (SiLU)
    h_src = h[src]
    h_dst = h[dst]
    x_diff = x[src] - x[dst]
    radial = jnp.sum(x_diff * x_diff, axis=1, keepdims=True)
    x_diff = x_diff / (jnp.sqrt(radial) + 1e-30)
    f = jnp.concatenate([h_src, h_dst, radial, e], axis=-1)
    m = jax.nn.silu(f @ p['e_w1'] + p['e_b1'])
    m = jax.nn.silu(m @ p['e_w2'] + p['e_b2'])
    c = jax.nn.silu(m @ p['c_w1'] + p['c_b1'])
    c = c @ p['c_w2']  # [E, 1], no bias
    msg_x = c * x_diff
    n = h.shape[0]
    h_neigh = jnp.zeros((n, m.shape[1]), m.dtype).at[dst].add(m)
    x_neigh = jnp.zeros((n, x.shape[1]), x.dtype).at[dst].add(msg_x)
    h_out = jnp.concatenate([h, h_neigh], axis=-1)
    h_out = jax.nn.silu(h_out @ p['n_w1'] + p['n_b1'])
    h_out = h_out @ p['n_w2'] + p['n_b2']
    x_out = x + x_neigh
    return h_out, x_out


def _forward(params, node_x, edge_attr, sequence_data, peptide_property, src, dst):
    h = node_x[:, :20]
    x = node_x[:, 20:]
    for p in params['egnn']:
        h, x = _egnn_layer(p, src, dst, h, x, edge_attr)
    hb = h.reshape(B, NPG, HID)
    a = params['attn']
    Q = hb @ a['q_w'] + a['q_b']
    K = hb @ a['k_w'] + a['k_b']
    V = hb @ a['v_w'] + a['v_b']
    scores = (Q @ jnp.swapaxes(K, 1, 2)) / jnp.sqrt(jnp.float32(HID))
    attw = jax.nn.softmax(scores, axis=-1)
    attn_out = (attw @ V).reshape(N, HID)
    seg = jnp.repeat(jnp.arange(B), NPG)
    x_gat = jax.ops.segment_sum(attn_out, seg, num_segments=B) / jnp.float32(NPG)
    v = params['vae']
    h1 = jax.nn.relu(sequence_data.reshape(-1, VIN) @ v['fc1_w'] + v['fc1_b'])
    mu = h1 @ v['fc21_w'] + v['fc21_b']
    logvar = h1 @ v['fc22_w'] + v['fc22_b']
    std = jnp.exp(0.5 * logvar)
    eps = jax.random.normal(jax.random.key(42), std.shape, jnp.float32)
    z = mu + eps * std
    pr = params['prop']
    pe = jax.nn.relu(peptide_property @ pr['w1'] + pr['b1'])
    pe = jax.nn.relu(pe @ pr['w2'] + pr['b2'])
    z_vae = jnp.concatenate([z, pe], axis=1)
    h3 = jax.nn.relu(z_vae @ v['fc3_w'] + v['fc3_b'])
    recon_x = h3 @ v['fc4_w'] + v['fc4_b']
    combined = jnp.concatenate([x_gat, z_vae, x_gat, z_vae], axis=1)
    c = params['clf']
    final_output = jax.nn.relu(combined @ c['w1'] + c['b1']) @ c['w2'] + c['b2']
    return (recon_x, mu, logvar, final_output)


def setup_inputs(seed: int = 0) -> dict:
    key = jax.random.key(seed)
    k1, k2, k3, k4, k5, k6 = jax.random.split(key, 6)
    return {
        'node_x': jax.random.normal(k1, (N, 23), jnp.float32),
        'edge_index': jax.random.randint(k2, (2, E), 0, N).astype(jnp.int64),
        'edge_attr': jax.random.normal(k3, (E, 1), jnp.float32),
        'sequence_data': jax.random.normal(k4, (B, VIN), jnp.float32),
        'peptide_property': jax.random.normal(k5, (B, 2), jnp.float32),
        'params': _make_params(k6),
    }


def reference(node_x, edge_index, edge_attr, sequence_data, peptide_property, params):
    src = edge_index[0]
    dst = edge_index[1]
    return _forward(params, node_x, edge_attr, sequence_data, peptide_property, src, dst)

if __name__ == "__main__":
    import jax
    _d = setup_inputs()
    print(jax.jit(kernel)(*tuple(_d.values())))

</pallas_src>

<mosaic_0001>
#map = affine_map<(d0, d1) -> (0, 0)>
#map1 = affine_map<(d0, d1) -> (0, 0, 0)>
module attributes {stable_mosaic.version = 14 : i64} {
  func.func @_sc_gather_body(%arg0: i32, %arg1: i32, %arg2: memref<10000x128xf32, #tpu.memory_space<hbm>>, %arg3: memref<10000x128xf32, #tpu.memory_space<hbm>>, %arg4: memref<32x125x80xi32, #tpu.memory_space<hbm>>, %arg5: memref<32x125x80xi32, #tpu.memory_space<hbm>>, %arg6: memref<320000x128xf32, #tpu.memory_space<hbm>>, %arg7: memref<125x80xi32, #tpu.memory_space<vmem>>, %arg8: memref<125x80xi32, #tpu.memory_space<vmem>>, %arg9: memref<80x128xf32, #tpu.memory_space<vmem>>, %arg10: memref<80x128xf32, #tpu.memory_space<vmem>>, %arg11: memref<80x128xf32, #tpu.memory_space<vmem>>, %arg12: memref<80x128xf32, #tpu.memory_space<vmem>>, %arg13: memref<!tpu.dma_semaphore, #tpu.memory_space<semaphore_mem>>, %arg14: memref<!tpu.dma_semaphore, #tpu.memory_space<semaphore_mem>>) attributes {dimension_semantics = [#tpu.dimension_semantics<core_parallel>, #tpu.dimension_semantics<subcore_parallel>], iteration_bounds = array<i64: 2, 16>, scalar_prefetch = 0 : i64, scratch_operands = 8 : i64, tpu.core_type = #tpu.core_type<sc_vector_subcore>, window_params = [{transform_indices = #map}, {transform_indices = #map}, {transform_indices = #map1}, {transform_indices = #map1}, {transform_indices = #map}]} {
    %mul3A = arith.constant 16 : i32
    %mul3A_0 = arith.muli %arg0, %mul3A : i32
    %add3A = arith.addi %mul3A_0, %arg1 : i32
    "tpu.region"() ({
      %run_scoped3A = tpu.sem_alloc : memref<!tpu.dma_semaphore, #tpu.memory_space<semaphore_mem>>
      %dma_start3A_42 = arith.constant 0 : i32
      %dma_start3A_43 = arith.constant 0 : i32
      %dma_start3A_44 = tpu.memref_slice %arg4[%add3A, %dma_start3A_42, %dma_start3A_43] : memref<32x125x80xi32, #tpu.memory_space<hbm>> -> memref<1x125x80xi32, #tpu.memory_space<hbm>>
      %dma_start3A_45 = tpu.memref_squeeze %dma_start3A_44 : memref<1x125x80xi32, #tpu.memory_space<hbm>> -> memref<125x80xi32, #tpu.memory_space<hbm>>
      %dma_start3A_46 = arith.constant 0 : i32
      %dma_start3A_47 = arith.constant 0 : i32
      %dma_start3A_48 = tpu.memref_slice %arg4[%add3A, %dma_start3A_46, %dma_start3A_47] : memref<32x125x80xi32, #tpu.memory_space<hbm>> -> memref<1x125x80xi32, #tpu.memory_space<hbm>>
      %dma_start3A_49 = tpu.memref_squeeze %dma_start3A_48 : memref<1x125x80xi32, #tpu.memory_space<hbm>> -> memref<125x80xi32, #tpu.memory_space<hbm>>
      tpu.enqueue_dma source(%dma_start3A_49 : memref<125x80xi32, #tpu.memory_space<hbm>>) target(%arg7 : memref<125x80xi32, #tpu.memory_space<vmem>>) target_semaphore(%run_scoped3A : memref<!tpu.dma_semaphore, #tpu.memory_space<semaphore_mem>>)
      %dma_wait3A_50 = arith.constant 0 : i32
      %dma_wait3A_51 = arith.constant 0 : i32
      %dma_wait3A_52 = tpu.memref_slice %arg4[%add3A, %dma_wait3A_50, %dma_wait3A_51] : memref<32x125x80xi32, #tpu.memory_space<hbm>> -> memref<1x125x80xi32, #tpu.memory_space<hbm>>
      %dma_wait3A_53 = tpu.memref_squeeze %dma_wait3A_52 : memref<1x125x80xi32, #tpu.memory_space<hbm>> -> memref<125x80xi32, #tpu.memory_space<hbm>>
      %dma_wait3A_54 = arith.constant 0 : i32
      %dma_wait3A_55 = arith.constant 0 : i32
      %dma_wait3A_56 = tpu.memref_slice %arg4[%add3A, %dma_wait3A_54, %dma_wait3A_55] : memref<32x125x80xi32, #tpu.memory_space<hbm>> -> memref<1x125x80xi32, #tpu.memory_space<hbm>>
      %dma_wait3A_57 = tpu.memref_squeeze %dma_wait3A_56 : memref<1x125x80xi32, #tpu.memory_space<hbm>> -> memref<125x80xi32, #tpu.memory_space<hbm>>
      tpu.wait_dma2 semaphore(%run_scoped3A : memref<!tpu.dma_semaphore, #tpu.memory_space<semaphore_mem>>) src(%dma_wait3A_57 : memref<125x80xi32, #tpu.memory_space<hbm>>) dst(%arg7 : memref<125x80xi32, #tpu.memory_space<vmem>>)
      tpu.yield
    }) : () -> ()
    "tpu.region"() ({
      %run_scoped3A = tpu.sem_alloc : memref<!tpu.dma_semaphore, #tpu.memory_space<semaphore_mem>>
      %dma_start3A_42 = arith.constant 0 : i32
      %dma_start3A_43 = arith.constant 0 : i32
      %dma_start3A_44 = tpu.memref_slice %arg5[%add3A, %dma_start3A_42, %dma_start3A_43] : memref<32x125x80xi32, #tpu.memory_space<hbm>> -> memref<1x125x80xi32, #tpu.memory_space<hbm>>
      %dma_start3A_45 = tpu.memref_squeeze %dma_start3A_44 : memref<1x125x80xi32, #tpu.memory_space<hbm>> -> memref<125x80xi32, #tpu.memory_space<hbm>>
      %dma_start3A_46 = arith.constant 0 : i32
      %dma_start3A_47 = arith.constant 0 : i32
      %dma_start3A_48 = tpu.memref_slice %arg5[%add3A, %dma_start3A_46, %dma_start3A_47] : memref<32x125x80xi32, #tpu.memory_space<hbm>> -> memref<1x125x80xi32, #tpu.memory_space<hbm>>
      %dma_start3A_49 = tpu.memref_squeeze %dma_start3A_48 : memref<1x125x80xi32, #tpu.memory_space<hbm>> -> memref<125x80xi32, #tpu.memory_space<hbm>>
      tpu.enqueue_dma source(%dma_start3A_49 : memref<125x80xi32, #tpu.memory_space<hbm>>) target(%arg8 : memref<125x80xi32, #tpu.memory_space<vmem>>) target_semaphore(%run_scoped3A : memref<!tpu.dma_semaphore, #tpu.memory_space<semaphore_mem>>)
      %dma_wait3A_50 = arith.constant 0 : i32
      %dma_wait3A_51 = arith.constant 0 : i32
      %dma_wait3A_52 = tpu.memref_slice %arg5[%add3A, %dma_wait3A_50, %dma_wait3A_51] : memref<32x125x80xi32, #tpu.memory_space<hbm>> -> memref<1x125x80xi32, #tpu.memory_space<hbm>>
      %dma_wait3A_53 = tpu.memref_squeeze %dma_wait3A_52 : memref<1x125x80xi32, #tpu.memory_space<hbm>> -> memref<125x80xi32, #tpu.memory_space<hbm>>
      %dma_wait3A_54 = arith.constant 0 : i32
      %dma_wait3A_55 = arith.constant 0 : i32
      %dma_wait3A_56 = tpu.memref_slice %arg5[%add3A, %dma_wait3A_54, %dma_wait3A_55] : memref<32x125x80xi32, #tpu.memory_space<hbm>> -> memref<1x125x80xi32, #tpu.memory_space<hbm>>
      %dma_wait3A_57 = tpu.memref_squeeze %dma_wait3A_56 : memref<1x125x80xi32, #tpu.memory_space<hbm>> -> memref<125x80xi32, #tpu.memory_space<hbm>>
      tpu.wait_dma2 semaphore(%run_scoped3A : memref<!tpu.dma_semaphore, #tpu.memory_space<semaphore_mem>>) src(%dma_wait3A_57 : memref<125x80xi32, #tpu.memory_space<hbm>>) dst(%arg8 : memref<125x80xi32, #tpu.memory_space<vmem>>)
      tpu.yield
    }) : () -> ()
    %scan3A = arith.constant 0 : i32
    %scan3A_1 = arith.constant 0 : i32
    %scan3A_2 = arith.constant 62 : i32
    %scan3A_3 = arith.addi %scan3A_1, %scan3A_2 : i32
    %scan3A_4 = arith.constant 1 : i32
    scf.for %scan3A_42 = %scan3A_1 to %scan3A_3 step %scan3A_4  : i32 {
      %mul3A_43 = arith.constant 2 : i32
      %mul3A_44 = arith.muli %mul3A_43, %scan3A_42 : i32
      %mul3A_45 = arith.constant 2 : i32
      %mul3A_46 = arith.muli %mul3A_45, %scan3A_42 : i32
      %add3A_47 = arith.constant 1 : i32
      %add3A_48 = arith.addi %mul3A_46, %add3A_47 : i32
      %dma_start3A_49 = arith.constant 0 : i32
      %dma_start3A_50 = tpu.memref_slice %arg7[%mul3A_44, %dma_start3A_49] : memref<125x80xi32, #tpu.memory_space<vmem>> -> memref<1x80xi32, #tpu.memory_space<vmem>>
      %dma_start3A_51 = tpu.memref_squeeze %dma_start3A_50 : memref<1x80xi32, #tpu.memory_space<vmem>> -> memref<80xi32, #tpu.memory_space<vmem>>
      %dma_start3A_52 = arith.constant 0 : i32
      %dma_start3A_53 = arith.constant 0 : i32
      %dma_start3A_54 = tpu.memref_slice %arg2[%dma_start3A_52, %dma_start3A_53] : memref<10000x128xf32, #tpu.memory_space<hbm>> -> memref<10000x128xf32, #tpu.memory_space<hbm>>
      tpu.enqueue_indirect_dma source(%dma_start3A_54 : memref<10000x128xf32, #tpu.memory_space<hbm>>) target(%arg9 : memref<80x128xf32, #tpu.memory_space<vmem>>) offsets(%dma_start3A_51 : memref<80xi32, #tpu.memory_space<vmem>>) semaphore(%arg13 : memref<!tpu.dma_semaphore, #tpu.memory_space<semaphore_mem>>)
      %dma_start3A_55 = arith.constant 0 : i32
      %dma_start3A_56 = tpu.memref_slice %arg8[%mul3A_44, %dma_start3A_55] : memref<125x80xi32, #tpu.memory_space<vmem>> -> memref<1x80xi32, #tpu.memory_space<vmem>>
      %dma_start3A_57 = tpu.memref_squeeze %dma_start3A_56 : memref<1x80xi32, #tpu.memory_space<vmem>> -> memref<80xi32, #tpu.memory_space<vmem>>
      %dma_start3A_58 = arith.constant 0 : i32
      %dma_start3A_59 = arith.constant 0 : i32
      %dma_start3A_60 = tpu.memref_slice %arg3[%dma_start3A_58, %dma_start3A_59] : memref<10000x128xf32, #tpu.memory_space<hbm>> -> memref<10000x128xf32, #tpu.memory_space<hbm>>
      tpu.enqueue_indirect_dma source(%dma_start3A_60 : memref<10000x128xf32, #tpu.memory_space<hbm>>) target(%arg10 : memref<80x128xf32, #tpu.memory_space<vmem>>) offsets(%dma_start3A_57 : memref<80xi32, #tpu.memory_space<vmem>>) semaphore(%arg13 : memref<!tpu.dma_semaphore, #tpu.memory_space<semaphore_mem>>)
      %dma_start3A_61 = arith.constant 0 : i32
      %dma_start3A_62 = tpu.memref_slice %arg7[%add3A_48, %dma_start3A_61] : memref<125x80xi32, #tpu.memory_space<vmem>> -> memref<1x80xi32, #tpu.memory_space<vmem>>
      %dma_start3A_63 = tpu.memref_squeeze %dma_start3A_62 : memref<1x80xi32, #tpu.memory_space<vmem>> -> memref<80xi32, #tpu.memory_space<vmem>>
      %dma_start3A_64 = arith.constant 0 : i32
      %dma_start3A_65 = arith.constant 0 : i32
      %dma_start3A_66 = tpu.memref_slice %arg2[%dma_start3A_64, %dma_start3A_65] : memref<10000x128xf32, #tpu.memory_space<hbm>> -> memref<10000x128xf32, #tpu.memory_space<hbm>>
      tpu.enqueue_indirect_dma source(%dma_start3A_66 : memref<10000x128xf32, #tpu.memory_space<hbm>>) target(%arg11 : memref<80x128xf32, #tpu.memory_space<vmem>>) offsets(%dma_start3A_63 : memref<80xi32, #tpu.memory_space<vmem>>) semaphore(%arg13 : memref<!tpu.dma_semaphore, #tpu.memory_space<semaphore_mem>>)
      %dma_start3A_67 = arith.constant 0 : i32
      %dma_start3A_68 = tpu.memref_slice %arg8[%add3A_48, %dma_start3A_67] : memref<125x80xi32, #tpu.memory_space<vmem>> -> memref<1x80xi32, #tpu.memory_space<vmem>>
      %dma_start3A_69 = tpu.memref_squeeze %dma_start3A_68 : memref<1x80xi32, #tpu.memory_space<vmem>> -> memref<80xi32, #tpu.memory_space<vmem>>
      %dma_start3A_70 = arith.constant 0 : i32
      %dma_start3A_71 = arith.constant 0 : i32
      %dma_start3A_72 = tpu.memref_slice %arg3[%dma_start3A_70, %dma_start3A_71] : memref<10000x128xf32, #tpu.memory_space<hbm>> -> memref<10000x128xf32, #tpu.memory_space<hbm>>
      tpu.enqueue_indirect_dma source(%dma_start3A_72 : memref<10000x128xf32, #tpu.memory_space<hbm>>) target(%arg12 : memref<80x128xf32, #tpu.memory_space<vmem>>) offsets(%dma_start3A_69 : memref<80xi32, #tpu.memory_space<vmem>>) semaphore(%arg13 : memref<!tpu.dma_semaphore, #tpu.memory_space<semaphore_mem>>)
      %dma_wait3A_73 = arith.constant 0 : i32
      %dma_wait3A_74 = tpu.memref_slice %arg7[%mul3A_44, %dma_wait3A_73] : memref<125x80xi32, #tpu.memory_space<vmem>> -> memref<1x80xi32, #tpu.memory_space<vmem>>
      %dma_wait3A_75 = tpu.memref_squeeze %dma_wait3A_74 : memref<1x80xi32, #tpu.memory_space<vmem>> -> memref<80xi32, #tpu.memory_space<vmem>>
      %dma_wait3A_76 = arith.constant 0 : i32
      %dma_wait3A_77 = arith.constant 0 : i32
      %dma_wait3A_78 = tpu.memref_slice %arg2[%dma_wait3A_76, %dma_wait3A_77] : memref<10000x128xf32, #tpu.memory_space<hbm>> -> memref<10000x128xf32, #tpu.memory_space<hbm>>
      tpu.wait_indirect_dma semaphore(%arg13 : memref<!tpu.dma_semaphore, #tpu.memory_space<semaphore_mem>>) src(%dma_wait3A_78 : memref<10000x128xf32, #tpu.memory_space<hbm>>) dst(%arg9 : memref<80x128xf32, #tpu.memory_space<vmem>>)
      %dma_wait3A_79 = arith.constant 0 : i32
      %dma_wait3A_80 = tpu.memref_slice %arg8[%mul3A_44, %dma_wait3A_79] : memref<125x80xi32, #tpu.memory_space<vmem>> -> memref<1x80xi32, #tpu.memory_space<vmem>>
      %dma_wait3A_81 = tpu.memref_squeeze %dma_wait3A_80 : memref<1x80xi32, #tpu.memory_space<vmem>> -> memref<80xi32, #tpu.memory_space<vmem>>
      %dma_wait3A_82 = arith.constant 0 : i32
      %dma_wait3A_83 = arith.constant 0 : i32
      %dma_wait3A_84 = tpu.memref_slice %arg3[%dma_wait3A_82, %dma_wait3A_83] : memref<10000x128xf32, #tpu.memory_space<hbm>> -> memref<10000x128xf32, #tpu.memory_space<hbm>>
      tpu.wait_indirect_dma semaphore(%arg13 : memref<!tpu.dma_semaphore, #tpu.memory_space<semaphore_mem>>) src(%dma_wait3A_84 : memref<10000x128xf32, #tpu.memory_space<hbm>>) dst(%arg10 : memref<80x128xf32, #tpu.memory_space<vmem>>)
      %scan3A_85 = arith.constant 0 : i32
      %scan3A_86 = arith.constant 0 : i32
      %scan3A_87 = arith.constant 80 : i32
      %scan3A_88 = arith.addi %scan3A_86, %scan3A_87 : i32
      %scan3A_89 = arith.constant 1 : i32
      scf.for %scan3A_135 = %scan3A_86 to %scan3A_88 step %scan3A_89  : i32 {
        %get3A = arith.index_cast %scan3A_135 : i32 to index
        %get3A_136 = arith.constant 0 : index
        %get3A_137 = tpu.vector_load %arg9[%get3A, %get3A_136] {strides = array<i32>} : memref<80x128xf32, #tpu.memory_space<vmem>>, vector<1x16xf32>,
        %get3A_138 = vector.shape_cast %get3A_137 : vector<1x16xf32> to vector<16xf32>
        %get3A_139 = arith.index_cast %scan3A_135 : i32 to index
        %get3A_140 = arith.constant 0 : index
        %get3A_141 = tpu.vector_load %arg10[%get3A_139, %get3A_140] {strides = array<i32>} : memref<80x128xf32, #tpu.memory_space<vmem>>, vector<1x16xf32>,
        %get3A_142 = vector.shape_cast %get3A_141 : vector<1x16xf32> to vector<16xf32>
        %add3A_143 = arith.addf %get3A_138, %get3A_142 : vector<16xf32>
        %swap3A = arith.index_cast %scan3A_135 : i32 to index
        %swap3A_144 = arith.constant 0 : index
        %swap3A_145 = tpu.vector_load %arg9[%swap3A, %swap3A_144] {strides = array<i32>} : memref<80x128xf32, #tpu.memory_space<vmem>>, vector<1x16xf32>,
        %swap3A_146 = vector.shape_cast %swap3A_145 : vector<1x16xf32> to vector<16xf32>
        %swap3A_147 = vector.shape_cast %add3A_143 : vector<16xf32> to vector<1x16xf32>
        tpu.vector_store %arg9[%swap3A, %swap3A_144], %swap3A_147 {strides = array<i32>} : memref<80x128xf32, #tpu.memory_space<vmem>>, vector<1x16xf32>,
        %get3A_148 = arith.index_cast %scan3A_135 : i32 to index
        %get3A_149 = arith.constant 16 : index
        %get3A_150 = tpu.vector_load %arg9[%get3A_148, %get3A_149] {strides = array<i32>} : memref<80x128xf32, #tpu.memory_space<vmem>>, vector<1x16xf32>,
        %get3A_151 = vector.shape_cast %get3A_150 : vector<1x16xf32> to vector<16xf32>
        %get3A_152 = arith.index_cast %scan3A_135 : i32 to index
        %get3A_153 = arith.constant 16 : index
        %get3A_154 = tpu.vector_load %arg10[%get3A_152, %get3A_153] {strides = array<i32>} : memref<80x128xf32, #tpu.memory_space<vmem>>, vector<1x16xf32>,
        %get3A_155 = vector.shape_cast %get3A_154 : vector<1x16xf32> to vector<16xf32>
        %add3A_156 = arith.addf %get3A_151, %get3A_155 : vector<16xf32>
        %swap3A_157 = arith.index_cast %scan3A_135 : i32 to index
        %swap3A_158 = arith.constant 16 : index
        %swap3A_159 = tpu.vector_load %arg9[%swap3A_157, %swap3A_158] {strides = array<i32>} : memref<80x128xf32, #tpu.memory_space<vmem>>, vector<1x16xf32>,
        %swap3A_160 = vector.shape_cast %swap3A_159 : vector<1x16xf32> to vector<16xf32>
        %swap3A_161 = vector.shape_cast %add3A_156 : vector<16xf32> to vector<1x16xf32>
        tpu.vector_store %arg9[%swap3A_157, %swap3A_158], %swap3A_161 {strides = array<i32>} : memref<80x128xf32, #tpu.memory_space<vmem>>, vector<1x16xf32>,
        %get3A_162 = arith.index_cast %scan3A_135 : i32 to index
        %get3A_163 = arith.constant 32 : index
        %get3A_164 = tpu.vector_load %arg9[%get3A_162, %get3A_163] {strides = array<i32>} : memref<80x128xf32, #tpu.memory_space<vmem>>, vector<1x16xf32>,
        %get3A_165 = vector.shape_cast %get3A_164 : vector<1x16xf32> to vector<16xf32>
        %get3A_166 = arith.index_cast %scan3A_135 : i32 to index
        %get3A_167 = arith.constant 32 : index
        %get3A_168 = tpu.vector_load %arg10[%get3A_166, %get3A_167] {strides = array<i32>} : memref<80x128xf32, #tpu.memory_space<vmem>>, vector<1x16xf32>,
        %get3A_169 = vector.shape_cast %get3A_168 : vector<1x16xf32> to vector<16xf32>
        %add3A_170 = arith.addf %get3A_165, %get3A_169 : vector<16xf32>
        %swap3A_171 = arith.index_cast %scan3A_135 : i32 to index
        %swap3A_172 = arith.constant 32 : index
        %swap3A_173 = tpu.vector_load %arg9[%swap3A_171, %swap3A_172] {strides = array<i32>} : memref<80x128xf32, #tpu.memory_space<vmem>>, vector<1x16xf32>,
        %swap3A_174 = vector.shape_cast %swap3A_173 : vector<1x16xf32> to vector<16xf32>
        %swap3A_175 = vector.shape_cast %add3A_170 : vector<16xf32> to vector<1x16xf32>
        tpu.vector_store %arg9[%swap3A_171, %swap3A_172], %swap3A_175 {strides = array<i32>} : memref<80x128xf32, #tpu.memory_space<vmem>>, vector<1x16xf32>,
        %get3A_176 = arith.index_cast %scan3A_135 : i32 to index
        %get3A_177 = arith.constant 48 : index
        %get3A_178 = tpu.vector_load %arg9[%get3A_176, %get3A_177] {strides = array<i32>} : memref<80x128xf32, #tpu.memory_space<vmem>>, vector<1x16xf32>,
        %get3A_179 = vector.shape_cast %get3A_178 : vector<1x16xf32> to vector<16xf32>
        %get3A_180 = arith.index_cast %scan3A_135 : i32 to index
        %get3A_181 = arith.constant 48 : index
        %get3A_182 = tpu.vector_load %arg10[%get3A_180, %get3A_181] {strides = array<i32>} : memref<80x128xf32, #tpu.memory_space<vmem>>, vector<1x16xf32>,
        %get3A_183 = vector.shape_cast %get3A_182 : vector<1x16xf32> to vector<16xf32>
        %add3A_184 = arith.addf %get3A_179, %get3A_183 : vector<16xf32>
        %swap3A_185 = arith.index_cast %scan3A_135 : i32 to index
        %swap3A_186 = arith.constant 48 : index
        %swap3A_187 = tpu.vector_load %arg9[%swap3A_185, %swap3A_186] {strides = array<i32>} : memref<80x128xf32, #tpu.memory_space<vmem>>, vector<1x16xf32>,
        %swap3A_188 = vector.shape_cast %swap3A_187 : vector<1x16xf32> to vector<16xf32>
        %swap3A_189 = vector.shape_cast %add3A_184 : vector<16xf32> to vector<1x16xf32>
        tpu.vector_store %arg9[%swap3A_185, %swap3A_186], %swap3A_189 {strides = array<i32>} : memref<80x128xf32, #tpu.memory_space<vmem>>, vector<1x16xf32>,
        %get3A_190 = arith.index_cast %scan3A_135 : i32 to index
        %get3A_191 = arith.constant 64 : index
        %get3A_192 = tpu.vector_load %arg9[%get3A_190, %get3A_191] {strides = array<i32>} : memref<80x128xf32, #tpu.memory_space<vmem>>, vector<1x16xf32>,
        %get3A_193 = vector.shape_cast %get3A_192 : vector<1x16xf32> to vector<16xf32>
        %get3A_194 = arith.index_cast %scan3A_135 : i32 to index
        %get3A_195 = arith.constant 64 : index
        %get3A_196 = tpu.vector_load %arg10[%get3A_194, %get3A_195] {strides = array<i32>} : memref<80x128xf32, #tpu.memory_space<vmem>>, vector<1x16xf32>,
        %get3A_197 = vector.shape_cast %get3A_196 : vector<1x16xf32> to vector<16xf32>
        %add3A_198 = arith.addf %get3A_193, %get3A_197 : vector<16xf32>
        %swap3A_199 = arith.index_cast %scan3A_135 : i32 to index
        %swap3A_200 = arith.constant 64 : index
        %swap3A_201 = tpu.vector_load %arg9[%swap3A_199, %swap3A_200] {strides = array<i32>} : memref<80x128xf32, #tpu.memory_space<vmem>>, vector<1x16xf32>,
        %swap3A_202 = vector.shape_cast %swap3A_201 : vector<1x16xf32> to vector<16xf32>
        %swap3A_203 = vector.shape_cast %add3A_198 : vector<16xf32> to vector<1x16xf32>
        tpu.vector_store %arg9[%swap3A_199, %swap3A_200], %swap3A_203 {strides = array<i32>} : memref<80x128xf32, #tpu.memory_space<vmem>>, vector<1x16xf32>,
        %get3A_204 = arith.index_cast %scan3A_135 : i32 to index
        %get3A_205 = arith.constant 80 : index
        %get3A_206 = tpu.vector_load %arg9[%get3A_204, %get3A_205] {strides = array<i32>} : memref<80x128xf32, #tpu.memory_space<vmem>>, vector<1x16xf32>,
        %get3A_207 = vector.shape_cast %get3A_206 : vector<1x16xf32> to vector<16xf32>
        %get3A_208 = arith.index_cast %scan3A_135 : i32 to index
        %get3A_209 = arith.constant 80 : index
        %get3A_210 = tpu.vector_load %arg10[%get3A_208, %get3A_209] {strides = array<i32>} : memref<80x128xf32, #tpu.memory_space<vmem>>, vector<1x16xf32>,
        %get3A_211 = vector.shape_cast %get3A_210 : vector<1x16xf32> to vector<16xf32>
        %add3A_212 = arith.addf %get3A_207, %get3A_211 : vector<16xf32>
        %swap3A_213 = arith.index_cast %scan3A_135 : i32 to index
        %swap3A_214 = arith.constant 80 : index
        %swap3A_215 = tpu.vector_load %arg9[%swap3A_213, %swap3A_214] {strides = array<i32>} : memref<80x128xf32, #tpu.memory_space<vmem>>, vector<1x16xf32>,
        %swap3A_216 = vector.shape_cast %swap3A_215 : vector<1x16xf32> to vector<16xf32>
        %swap3A_217 = vector.shape_cast %add3A_212 : vector<16xf32> to vector<1x16xf32>
        tpu.vector_store %arg9[%swap3A_213, %swap3A_214], %swap3A_217 {strides = array<i32>} : memref<80x128xf32, #tpu.memory_space<vmem>>, vector<1x16xf32>,
        %get3A_218 = arith.index_cast %scan3A_135 : i32 to index
        %get3A_219 = arith.constant 96 : index
        %get3A_220 = tpu.vector_load %arg9[%get3A_218, %get3A_219] {strides = array<i32>} : memref<80x128xf32, #tpu.memory_space<vmem>>, vector<1x16xf32>,
        %get3A_221 = vector.shape_cast %get3A_220 : vector<1x16xf32> to vector<16xf32>
        %get3A_222 = arith.index_cast %scan3A_135 : i32 to index
        %get3A_223 = arith.constant 96 : index
        %get3A_224 = tpu.vector_load %arg10[%get3A_222, %get3A_223] {strides = array<i32>} : memref<80x128xf32, #tpu.memory_space<vmem>>, vector<1x16xf32>,
        %get3A_225 = vector.shape_cast %get3A_224 : vector<1x16xf32> to vector<16xf32>
        %add3A_226 = arith.addf %get3A_221, %get3A_225 : vector<16xf32>
        %swap3A_227 = arith.index_cast %scan3A_135 : i32 to index
        %swap3A_228 = arith.constant 96 : index
        %swap3A_229 = tpu.vector_load %arg9[%swap3A_227, %swap3A_228] {strides = array<i32>} : memref<80x128xf32, #tpu.memory_space<vmem>>, vector<1x16xf32>,
        %swap3A_230 = vector.shape_cast %swap3A_229 : vector<1x16xf32> to vector<16xf32>
        %swap3A_231 = vector.shape_cast %add3A_226 : vector<16xf32> to vector<1x16xf32>
        tpu.vector_store %arg9[%swap3A_227, %swap3A_228], %swap3A_231 {strides = array<i32>} : memref<80x128xf32, #tpu.memory_space<vmem>>, vector<1x16xf32>,
        %get3A_232 = arith.index_cast %scan3A_135 : i32 to index
        %get3A_233 = arith.constant 112 : index
        %get3A_234 = tpu.vector_load %arg9[%get3A_232, %get3A_233] {strides = array<i32>} : memref<80x128xf32, #tpu.memory_space<vmem>>, vector<1x16xf32>,
        %get3A_235 = vector.shape_cast %get3A_234 : vector<1x16xf32> to vector<16xf32>
        %get3A_236 = arith.index_cast %scan3A_135 : i32 to index
        %get3A_237 = arith.constant 112 : index
        %get3A_238 = tpu.vector_load %arg10[%get3A_236, %get3A_237] {strides = array<i32>} : memref<80x128xf32, #tpu.memory_space<vmem>>, vector<1x16xf32>,
        %get3A_239 = vector.shape_cast %get3A_238 : vector<1x16xf32> to vector<16xf32>
        %add3A_240 = arith.addf %get3A_235, %get3A_239 : vector<16xf32>
        %swap3A_241 = arith.index_cast %scan3A_135 : i32 to index
        %swap3A_242 = arith.constant 112 : index
        %swap3A_243 = tpu.vector_load %arg9[%swap3A_241, %swap3A_242] {strides = array<i32>} : memref<80x128xf32, #tpu.memory_space<vmem>>, vector<1x16xf32>,
        %swap3A_244 = vector.shape_cast %swap3A_243 : vector<1x16xf32> to vector<16xf32>
        %swap3A_245 = vector.shape_cast %add3A_240 : vector<16xf32> to vector<1x16xf32>
        tpu.vector_store %arg9[%swap3A_241, %swap3A_242], %swap3A_245 {strides = array<i32>} : memref<80x128xf32, #tpu.memory_space<vmem>>, vector<1x16xf32>,
      }
      %scan3A_90 = arith.constant 80 : i32
      %mul3A_91 = arith.constant 10000 : i32
      %mul3A_92 = arith.muli %add3A, %mul3A_91 : i32
      %mul3A_93 = arith.constant 80 : i32
      %mul3A_94 = arith.muli %mul3A_44, %mul3A_93 : i32
      %add3A_95 = arith.addi %mul3A_92, %mul3A_94 : i32
      %dma_start3A_96 = arith.constant 0 : i32
      %dma_start3A_97 = tpu.memref_slice %arg6[%add3A_95, %dma_start3A_96] : memref<320000x128xf32, #tpu.memory_space<hbm>> -> memref<80x128xf32, #tpu.memory_space<hbm>>
      %dma_start3A_98 = arith.constant 0 : i32
      %dma_start3A_99 = tpu.memref_slice %arg6[%add3A_95, %dma_start3A_98] : memref<320000x128xf32, #tpu.memory_space<hbm>> -> memref<80x128xf32, #tpu.memory_space<hbm>>
      tpu.enqueue_dma source(%arg9 : memref<80x128xf32, #tpu.memory_space<vmem>>) target(%dma_start3A_99 : memref<80x128xf32, #tpu.memory_space<hbm>>) target_semaphore(%arg14 : memref<!tpu.dma_semaphore, #tpu.memory_space<semaphore_mem>>)
      %dma_wait3A_100 = arith.constant 0 : i32
      %dma_wait3A_101 = tpu.memref_slice %arg7[%add3A_48, %dma_wait3A_100] : memref<125x80xi32, #tpu.memory_space<vmem>> -> memref<1x80xi32, #tpu.memory_space<vmem>>
      %dma_wait3A_102 = tpu.memref_squeeze %dma_wait3A_101 : memref<1x80xi32, #tpu.memory_space<vmem>> -> memref<80xi32, #tpu.memory_space<vmem>>
      %dma_wait3A_103 = arith.constant 0 : i32
      %dma_wait3A_104 = arith.constant 0 : i32
      %dma_wait3A_105 = tpu.memref_slice %arg2[%dma_wait3A_103, %dma_wait3A_104] : memref<10000x128xf32, #tpu.memory_space<hbm>> -> memref<10000x128xf32, #tpu.memory_space<hbm>>
      tpu.wait_indirect_dma semaphore(%arg13 : memref<!tpu.dma_semaphore, #tpu.memory_space<semaphore_mem>>) src(%dma_wait3A_105 : memref<10000x128xf32, #tpu.memory_space<hbm>>) dst(%arg11 : memref<80x128xf32, #tpu.memory_space<vmem>>)
      %dma_wait3A_106 = arith.constant 0 : i32
      %dma_wait3A_107 = tpu.memref_slice %arg8[%add3A_48, %dma_wait3A_106] : memref<125x80xi32, #tpu.memory_space<vmem>> -> memref<1x80xi32, #tpu.memory_space<vmem>>
      %dma_wait3A_108 = tpu.memref_squeeze %dma_wait3A_107 : memref<1x80xi32, #tpu.memory_space<vmem>> -> memref<80xi32, #tpu.memory_space<vmem>>
      %dma_wait3A_109 = arith.constant 0 : i32
      %dma_wait3A_110 = arith.constant 0 : i32
      %dma_wait3A_111 = tpu.memref_slice %arg3[%dma_wait3A_109, %dma_wait3A_110] : memref<10000x128xf32, #tpu.memory_space<hbm>> -> memref<10000x128xf32, #tpu.memory_space<hbm>>
      tpu.wait_indirect_dma semaphore(%arg13 : memref<!tpu.dma_semaphore, #tpu.memory_space<semaphore_mem>>) src(%dma_wait3A_111 : memref<10000x128xf32, #tpu.memory_space<hbm>>) dst(%arg12 : memref<80x128xf32, #tpu.memory_space<vmem>>)
      %scan3A_112 = arith.constant 0 : i32
      %scan3A_113 = arith.constant 0 : i32
      %scan3A_114 = arith.constant 80 : i32
      %scan3A_115 = arith.addi %scan3A_113, %scan3A_114 : i32
      %scan3A_116 = arith.constant 1 : i32
      scf.for %scan3A_135 = %scan3A_113 to %scan3A_115 step %scan3A_116  : i32 {
        %get3A = arith.index_cast %scan3A_135 : i32 to index
        %get3A_136 = arith.constant 0 : index
        %get3A_137 = tpu.vector_load %arg11[%get3A, %get3A_136] {strides = array<i32>} : memref<80x128xf32, #tpu.memory_space<vmem>>, vector<1x16xf32>,
        %get3A_138 = vector.shape_cast %get3A_137 : vector<1x16xf32> to vector<16xf32>
        %get3A_139 = arith.index_cast %scan3A_135 : i32 to index
        %get3A_140 = arith.constant 0 : index
        %get3A_141 = tpu.vector_load %arg12[%get3A_139, %get3A_140] {strides = array<i32>} : memref<80x128xf32, #tpu.memory_space<vmem>>, vector<1x16xf32>,
        %get3A_142 = vector.shape_cast %get3A_141 : vector<1x16xf32> to vector<16xf32>
        %add3A_143 = arith.addf %get3A_138, %get3A_142 : vector<16xf32>
        %swap3A = arith.index_cast %scan3A_135 : i32 to index
        %swap3A_144 = arith.constant 0 : index
        %swap3A_145 = tpu.vector_load %arg11[%swap3A, %swap3A_144] {strides = array<i32>} : memref<80x128xf32, #tpu.memory_space<vmem>>, vector<1x16xf32>,
        %swap3A_146 = vector.shape_cast %swap3A_145 : vector<1x16xf32> to vector<16xf32>
        %swap3A_147 = vector.shape_cast %add3A_143 : vector<16xf32> to vector<1x16xf32>
        tpu.vector_store %arg11[%swap3A, %swap3A_144], %swap3A_147 {strides = array<i32>} : memref<80x128xf32, #tpu.memory_space<vmem>>, vector<1x16xf32>,
        %get3A_148 = arith.index_cast %scan3A_135 : i32 to index
        %get3A_149 = arith.constant 16 : index
        %get3A_150 = tpu.vector_load %arg11[%get3A_148, %get3A_149] {strides = array<i32>} : memref<80x128xf32, #tpu.memory_space<vmem>>, vector<1x16xf32>,
        %get3A_151 = vector.shape_cast %get3A_150 : vector<1x16xf32> to vector<16xf32>
        %get3A_152 = arith.index_cast %scan3A_135 : i32 to index
        %get3A_153 = arith.constant 16 : index
        %get3A_154 = tpu.vector_load %arg12[%get3A_152, %get3A_153] {strides = array<i32>} : memref<80x128xf32, #tpu.memory_space<vmem>>, vector<1x16xf32>,
        %get3A_155 = vector.shape_cast %get3A_154 : vector<1x16xf32> to vector<16xf32>
        %add3A_156 = arith.addf %get3A_151, %get3A_155 : vector<16xf32>
        %swap3A_157 = arith.index_cast %scan3A_135 : i32 to index
        %swap3A_158 = arith.constant 16 : index
        %swap3A_159 = tpu.vector_load %arg11[%swap3A_157, %swap3A_158] {strides = array<i32>} : memref<80x128xf32, #tpu.memory_space<vmem>>, vector<1x16xf32>,
        %swap3A_160 = vector.shape_cast %swap3A_159 : vector<1x16xf32> to vector<16xf32>
        %swap3A_161 = vector.shape_cast %add3A_156 : vector<16xf32> to vector<1x16xf32>
        tpu.vector_store %arg11[%swap3A_157, %swap3A_158], %swap3A_161 {strides = array<i32>} : memref<80x128xf32, #tpu.memory_space<vmem>>, vector<1x16xf32>,
        %get3A_162 = arith.index_cast %scan3A_135 : i32 to index
        %get3A_163 = arith.constant 32 : index
        %get3A_164 = tpu.vector_load %arg11[%get3A_162, %get3A_163] {strides = array<i32>} : memref<80x128xf32, #tpu.memory_space<vmem>>, vector<1x16xf32>,
        %get3A_165 = vector.shape_cast %get3A_164 : vector<1x16xf32> to vector<16xf32>
        %get3A_166 = arith.index_cast %scan3A_135 : i32 to index
        %get3A_167 = arith.constant 32 : index
        %get3A_168 = tpu.vector_load %arg12[%get3A_166, %get3A_167] {strides = array<i32>} : memref<80x128xf32, #tpu.memory_space<vmem>>, vector<1x16xf32>,
        %get3A_169 = vector.shape_cast %get3A_168 : vector<1x16xf32> to vector<16xf32>
        %add3A_170 = arith.addf %get3A_165, %get3A_169 : vector<16xf32>
        %swap3A_171 = arith.index_cast %scan3A_135 : i32 to index
        %swap3A_172 = arith.constant 32 : index
        %swap3A_173 = tpu.vector_load %arg11[%swap3A_171, %swap3A_172] {strides = array<i32>} : memref<80x128xf32, #tpu.memory_space<vmem>>, vector<1x16xf32>,
        %swap3A_174 = vector.shape_cast %swap3A_173 : vector<1x16xf32> to vector<16xf32>
        %swap3A_175 = vector.shape_cast %add3A_170 : vector<16xf32> to vector<1x16xf32>
        tpu.vector_store %arg11[%swap3A_171, %swap3A_172], %swap3A_175 {strides = array<i32>} : memref<80x128xf32, #tpu.memory_space<vmem>>, vector<1x16xf32>,
        %get3A_176 = arith.index_cast %scan3A_135 : i32 to index
        %get3A_177 = arith.constant 48 : index
        %get3A_178 = tpu.vector_load %arg11[%get3A_176, %get3A_177] {strides = array<i32>} : memref<80x128xf32, #tpu.memory_space<vmem>>, vector<1x16xf32>,
        %get3A_179 = vector.shape_cast %get3A_178 : vector<1x16xf32> to vector<16xf32>
        %get3A_180 = arith.index_cast %scan3A_135 : i32 to index
        %get3A_181 = arith.constant 48 : index
        %get3A_182 = tpu.vector_load %arg12[%get3A_180, %get3A_181] {strides = array<i32>} : memref<80x128xf32, #tpu.memory_space<vmem>>, vector<1x16xf32>,
        %get3A_183 = vector.shape_cast %get3A_182 : vector<1x16xf32> to vector<16xf32>
        %add3A_184 = arith.addf %get3A_179, %get3A_183 : vector<16xf32>
        %swap3A_185 = arith.index_cast %scan3A_135 : i32 to index
        %swap3A_186 = arith.constant 48 : index
        %swap3A_187 = tpu.vector_load %arg11[%swap3A_185, %swap3A_186] {strides = array<i32>} : memref<80x128xf32, #tpu.memory_space<vmem>>, vector<1x16xf32>,
        %swap3A_188 = vector.shape_cast %swap3A_187 : vector<1x16xf32> to vector<16xf32>
        %swap3A_189 = vector.shape_cast %add3A_184 : vector<16xf32> to vector<1x16xf32>
        tpu.vector_store %arg11[%swap3A_185, %swap3A_186], %swap3A_189 {strides = array<i32>} : memref<80x128xf32, #tpu.memory_space<vmem>>, vector<1x16xf32>,
        %get3A_190 = arith.index_cast %scan3A_135 : i32 to index
        %get3A_191 = arith.constant 64 : index
        %get3A_192 = tpu.vector_load %arg11[%get3A_190, %get3A_191] {strides = array<i32>} : memref<80x128xf32, #tpu.memory_space<vmem>>, vector<1x16xf32>,
        %get3A_193 = vector.shape_cast %get3A_192 : vector<1x16xf32> to vector<16xf32>
        %get3A_194 = arith.index_cast %scan3A_135 : i32 to index
        %get3A_195 = arith.constant 64 : index
        %get3A_196 = tpu.vector_load %arg12[%get3A_194, %get3A_195] {strides = array<i32>} : memref<80x128xf32, #tpu.memory_space<vmem>>, vector<1x16xf32>,
        %get3A_197 = vector.shape_cast %get3A_196 : vector<1x16xf32> to vector<16xf32>
        %add3A_198 = arith.addf %get3A_193, %get3A_197 : vector<16xf32>
        %swap3A_199 = arith.index_cast %scan3A_135 : i32 to index
        %swap3A_200 = arith.constant 64 : index
        %swap3A_201 = tpu.vector_load %arg11[%swap3A_199, %swap3A_200] {strides = array<i32>} : memref<80x128xf32, #tpu.memory_space<vmem>>, vector<1x16xf32>,
        %swap3A_202 = vector.shape_cast %swap3A_201 : vector<1x16xf32> to vector<16xf32>
        %swap3A_203 = vector.shape_cast %add3A_198 : vector<16xf32> to vector<1x16xf32>
        tpu.vector_store %arg11[%swap3A_199, %swap3A_200], %swap3A_203 {strides = array<i32>} : memref<80x128xf32, #tpu.memory_space<vmem>>, vector<1x16xf32>,
        %get3A_204 = arith.index_cast %scan3A_135 : i32 to index
        %get3A_205 = arith.constant 80 : index
        %get3A_206 = tpu.vector_load %arg11[%get3A_204, %get3A_205] {strides = array<i32>} : memref<80x128xf32, #tpu.memory_space<vmem>>, vector<1x16xf32>,
        %get3A_207 = vector.shape_cast %get3A_206 : vector<1x16xf32> to vector<16xf32>
        %get3A_208 = arith.index_cast %scan3A_135 : i32 to index
        %get3A_209 = arith.constant 80 : index
        %get3A_210 = tpu.vector_load %arg12[%get3A_208, %get3A_209] {strides = array<i32>} : memref<80x128xf32, #tpu.memory_space<vmem>>, vector<1x16xf32>,
        %get3A_211 = vector.shape_cast %get3A_210 : vector<1x16xf32> to vector<16xf32>
        %add3A_212 = arith.addf %get3A_207, %get3A_211 : vector<16xf32>
        %swap3A_213 = arith.index_cast %scan3A_135 : i32 to index
        %swap3A_214 = arith.constant 80 : index
        %swap3A_215 = tpu.vector_load %arg11[%swap3A_213, %swap3A_214] {strides = array<i32>} : memref<80x128xf32, #tpu.memory_space<vmem>>, vector<1x16xf32>,
        %swap3A_216 = vector.shape_cast %swap3A_215 : vector<1x16xf32> to vector<16xf32>
        %swap3A_217 = vector.shape_cast %add3A_212 : vector<16xf32> to vector<1x16xf32>
        tpu.vector_store %arg11[%swap3A_213, %swap3A_214], %swap3A_217 {strides = array<i32>} : memref<80x128xf32, #tpu.memory_space<vmem>>, vector<1x16xf32>,
        %get3A_218 = arith.index_cast %scan3A_135 : i32 to index
        %get3A_219 = arith.constant 96 : index
        %get3A_220 = tpu.vector_load %arg11[%get3A_218, %get3A_219] {strides = array<i32>} : memref<80x128xf32, #tpu.memory_space<vmem>>, vector<1x16xf32>,
        %get3A_221 = vector.shape_cast %get3A_220 : vector<1x16xf32> to vector<16xf32>
        %get3A_222 = arith.index_cast %scan3A_135 : i32 to index
        %get3A_223 = arith.constant 96 : index
        %get3A_224 = tpu.vector_load %arg12[%get3A_222, %get3A_223] {strides = array<i32>} : memref<80x128xf32, #tpu.memory_space<vmem>>, vector<1x16xf32>,
        %get3A_225 = vector.shape_cast %get3A_224 : vector<1x16xf32> to vector<16xf32>
        %add3A_226 = arith.addf %get3A_221, %get3A_225 : vector<16xf32>
        %swap3A_227 = arith.index_cast %scan3A_135 : i32 to index
        %swap3A_228 = arith.constant 96 : index
        %swap3A_229 = tpu.vector_load %arg11[%swap3A_227, %swap3A_228] {strides = array<i32>} : memref<80x128xf32, #tpu.memory_space<vmem>>, vector<1x16xf32>,
        %swap3A_230 = vector.shape_cast %swap3A_229 : vector<1x16xf32> to vector<16xf32>
        %swap3A_231 = vector.shape_cast %add3A_226 : vector<16xf32> to vector<1x16xf32>
        tpu.vector_store %arg11[%swap3A_227, %swap3A_228], %swap3A_231 {strides = array<i32>} : memref<80x128xf32, #tpu.memory_space<vmem>>, vector<1x16xf32>,
        %get3A_232 = arith.index_cast %scan3A_135 : i32 to index
        %get3A_233 = arith.constant 112 : index
        %get3A_234 = tpu.vector_load %arg11[%get3A_232, %get3A_233] {strides = array<i32>} : memref<80x128xf32, #tpu.memory_space<vmem>>, vector<1x16xf32>,
        %get3A_235 = vector.shape_cast %get3A_234 : vector<1x16xf32> to vector<16xf32>
        %get3A_236 = arith.index_cast %scan3A_135 : i32 to index
        %get3A_237 = arith.constant 112 : index
        %get3A_238 = tpu.vector_load %arg12[%get3A_236, %get3A_237] {strides = array<i32>} : memref<80x128xf32, #tpu.memory_space<vmem>>, vector<1x16xf32>,
        %get3A_239 = vector.shape_cast %get3A_238 : vector<1x16xf32> to vector<16xf32>
        %add3A_240 = arith.addf %get3A_235, %get3A_239 : vector<16xf32>
        %swap3A_241 = arith.index_cast %scan3A_135 : i32 to index
        %swap3A_242 = arith.constant 112 : index
        %swap3A_243 = tpu.vector_load %arg11[%swap3A_241, %swap3A_242] {strides = array<i32>} : memref<80x128xf32, #tpu.memory_space<vmem>>, vector<1x16xf32>,
        %swap3A_244 = vector.shape_cast %swap3A_243 : vector<1x16xf32> to vector<16xf32>
        %swap3A_245 = vector.shape_cast %add3A_240 : vector<16xf32> to vector<1x16xf32>
        tpu.vector_store %arg11[%swap3A_241, %swap3A_242], %swap3A_245 {strides = array<i32>} : memref<80x128xf32, #tpu.memory_space<vmem>>, vector<1x16xf32>,
      }
      %scan3A_117 = arith.constant 80 : i32
      %mul3A_118 = arith.constant 10000 : i32
      %mul3A_119 = arith.muli %add3A, %mul3A_118 : i32
      %mul3A_120 = arith.constant 80 : i32
      %mul3A_121 = arith.muli %add3A_48, %mul3A_120 : i32
      %add3A_122 = arith.addi %mul3A_119, %mul3A_121 : i32
      %dma_start3A_123 = arith.constant 0 : i32
      %dma_start3A_124 = tpu.memref_slice %arg6[%add3A_122, %dma_start3A_123] : memref<320000x128xf32, #tpu.memory_space<hbm>> -> memref<80x128xf32, #tpu.memory_space<hbm>>
      %dma_start3A_125 = arith.constant 0 : i32
      %dma_start3A_126 = tpu.memref_slice %arg6[%add3A_122, %dma_start3A_125] : memref<320000x128xf32, #tpu.memory_space<hbm>> -> memref<80x128xf32, #tpu.memory_space<hbm>>
      tpu.enqueue_dma source(%arg11 : memref<80x128xf32, #tpu.memory_space<vmem>>) target(%dma_start3A_126 : memref<80x128xf32, #tpu.memory_space<hbm>>) target_semaphore(%arg14 : memref<!tpu.dma_semaphore, #tpu.memory_space<semaphore_mem>>)
      %dma_wait3A_127 = arith.constant 0 : i32
      %dma_wait3A_128 = tpu.memref_slice %arg6[%add3A_95, %dma_wait3A_127] : memref<320000x128xf32, #tpu.memory_space<hbm>> -> memref<80x128xf32, #tpu.memory_space<hbm>>
      %dma_wait3A_129 = arith.constant 0 : i32
      %dma_wait3A_130 = tpu.memref_slice %arg6[%add3A_95, %dma_wait3A_129] : memref<320000x128xf32, #tpu.memory_space<hbm>> -> memref<80x128xf32, #tpu.memory_space<hbm>>
      tpu.wait_dma2 semaphore(%arg14 : memref<!tpu.dma_semaphore, #tpu.memory_space<semaphore_mem>>) src(%arg9 : memref<80x128xf32, #tpu.memory_space<vmem>>) dst(%dma_wait3A_130 : memref<80x128xf32, #tpu.memory_space<hbm>>)
      %dma_wait3A_131 = arith.constant 0 : i32
      %dma_wait3A_132 = tpu.memref_slice %arg6[%add3A_122, %dma_wait3A_131] : memref<320000x128xf32, #tpu.memory_space<hbm>> -> memref<80x128xf32, #tpu.memory_space<hbm>>
      %dma_wait3A_133 = arith.constant 0 : i32
      %dma_wait3A_134 = tpu.memref_slice %arg6[%add3A_122, %dma_wait3A_133] : memref<320000x128xf32, #tpu.memory_space<hbm>> -> memref<80x128xf32, #tpu.memory_space<hbm>>
      tpu.wait_dma2 semaphore(%arg14 : memref<!tpu.dma_semaphore, #tpu.memory_space<semaphore_mem>>) src(%arg11 : memref<80x128xf32, #tpu.memory_space<vmem>>) dst(%dma_wait3A_134 : memref<80x128xf32, #tpu.memory_space<hbm>>)
    }
    %scan3A_5 = arith.constant 62 : i32
    %dma_start3A = arith.constant 124 : i32
    %dma_start3A_6 = arith.constant 0 : i32
    %dma_start3A_7 = tpu.memref_slice %arg7[%dma_start3A, %dma_start3A_6] : memref<125x80xi32, #tpu.memory_space<vmem>> -> memref<1x80xi32, #tpu.memory_space<vmem>>
    %dma_start3A_8 = tpu.memref_squeeze %dma_start3A_7 : memref<1x80xi32, #tpu.memory_space<vmem>> -> memref<80xi32, #tpu.memory_space<vmem>>
    %dma_start3A_9 = arith.constant 0 : i32
    %dma_start3A_10 = arith.constant 0 : i32
    %dma_start3A_11 = tpu.memref_slice %arg2[%dma_start3A_9, %dma_start3A_10] : memref<10000x128xf32, #tpu.memory_space<hbm>> -> memref<10000x128xf32, #tpu.memory_space<hbm>>
    tpu.enqueue_indirect_dma source(%dma_start3A_11 : memref<10000x128xf32, #tpu.memory_space<hbm>>) target(%arg9 : memref<80x128xf32, #tpu.memory_space<vmem>>) offsets(%dma_start3A_8 : memref<80xi32, #tpu.memory_space<vmem>>) semaphore(%arg13 : memref<!tpu.dma_semaphore, #tpu.memory_space<semaphore_mem>>)
    %dma_start3A_12 = arith.constant 124 : i32
    %dma_start3A_13 = arith.constant 0 : i32
    %dma_start3A_14 = tpu.memref_slice %arg8[%dma_start3A_12, %dma_start3A_13] : memref<125x80xi32, #tpu.memory_space<vmem>> -> memref<1x80xi32, #tpu.memory_space<vmem>>
    %dma_start3A_15 = tpu.memref_squeeze %dma_start3A_14 : memref<1x80xi32, #tpu.memory_space<vmem>> -> memref<80xi32, #tpu.memory_space<vmem>>
    %dma_start3A_16 = arith.constant 0 : i32
    %dma_start3A_17 = arith.constant 0 : i32
    %dma_start3A_18 = tpu.memref_slice %arg3[%dma_start3A_16, %dma_start3A_17] : memref<10000x128xf32, #tpu.memory_space<hbm>> -> memref<10000x128xf32, #tpu.memory_space<hbm>>
    tpu.enqueue_indirect_dma source(%dma_start3A_18 : memref<10000x128xf32, #tpu.memory_space<hbm>>) target(%arg10 : memref<80x128xf32, #tpu.memory_space<vmem>>) offsets(%dma_start3A_15 : memref<80xi32, #tpu.memory_space<vmem>>) semaphore(%arg13 : memref<!tpu.dma_semaphore, #tpu.memory_space<semaphore_mem>>)
    %dma_wait3A = arith.constant 124 : i32
    %dma_wait3A_19 = arith.constant 0 : i32
    %dma_wait3A_20 = tpu.memref_slice %arg7[%dma_wait3A, %dma_wait3A_19] : memref<125x80xi32, #tpu.memory_space<vmem>> -> memref<1x80xi32, #tpu.memory_space<vmem>>
    %dma_wait3A_21 = tpu.memref_squeeze %dma_wait3A_20 : memref<1x80xi32, #tpu.memory_space<vmem>> -> memref<80xi32, #tpu.memory_space<vmem>>
    %dma_wait3A_22 = arith.constant 0 : i32
    %dma_wait3A_23 = arith.constant 0 : i32
    %dma_wait3A_24 = tpu.memref_slice %arg2[%dma_wait3A_22, %dma_wait3A_23] : memref<10000x128xf32, #tpu.memory_space<hbm>> -> memref<10000x128xf32, #tpu.memory_space<hbm>>
    tpu.wait_indirect_dma semaphore(%arg13 : memref<!tpu.dma_semaphore, #tpu.memory_space<semaphore_mem>>) src(%dma_wait3A_24 : memref<10000x128xf32, #tpu.memory_space<hbm>>) dst(%arg9 : memref<80x128xf32, #tpu.memory_space<vmem>>)
    %dma_wait3A_25 = arith.constant 124 : i32
    %dma_wait3A_26 = arith.constant 0 : i32
    %dma_wait3A_27 = tpu.memref_slice %arg8[%dma_wait3A_25, %dma_wait3A_26] : memref<125x80xi32, #tpu.memory_space<vmem>> -> memref<1x80xi32, #tpu.memory_space<vmem>>
    %dma_wait3A_28 = tpu.memref_squeeze %dma_wait3A_27 : memref<1x80xi32, #tpu.memory_space<vmem>> -> memref<80xi32, #tpu.memory_space<vmem>>
    %dma_wait3A_29 = arith.constant 0 : i32
    %dma_wait3A_30 = arith.constant 0 : i32
    %dma_wait3A_31 = tpu.memref_slice %arg3[%dma_wait3A_29, %dma_wait3A_30] : memref<10000x128xf32, #tpu.memory_space<hbm>> -> memref<10000x128xf32, #tpu.memory_space<hbm>>
    tpu.wait_indirect_dma semaphore(%arg13 : memref<!tpu.dma_semaphore, #tpu.memory_space<semaphore_mem>>) src(%dma_wait3A_31 : memref<10000x128xf32, #tpu.memory_space<hbm>>) dst(%arg10 : memref<80x128xf32, #tpu.memory_space<vmem>>)
    %scan3A_32 = arith.constant 0 : i32
    %scan3A_33 = arith.constant 0 : i32
    %scan3A_34 = arith.constant 80 : i32
    %scan3A_35 = arith.addi %scan3A_33, %scan3A_34 : i32
    %scan3A_36 = arith.constant 1 : i32
    scf.for %scan3A_42 = %scan3A_33 to %scan3A_35 step %scan3A_36  : i32 {
      %get3A = arith.index_cast %scan3A_42 : i32 to index
      %get3A_43 = arith.constant 0 : index
      %get3A_44 = tpu.vector_load %arg9[%get3A, %get3A_43] {strides = array<i32>} : memref<80x128xf32, #tpu.memory_space<vmem>>, vector<1x16xf32>,
      %get3A_45 = vector.shape_cast %get3A_44 : vector<1x16xf32> to vector<16xf32>
      %get3A_46 = arith.index_cast %scan3A_42 : i32 to index
      %get3A_47 = arith.constant 0 : index
      %get3A_48 = tpu.vector_load %arg10[%get3A_46, %get3A_47] {strides = array<i32>} : memref<80x128xf32, #tpu.memory_space<vmem>>, vector<1x16xf32>,
      %get3A_49 = vector.shape_cast %get3A_48 : vector<1x16xf32> to vector<16xf32>
      %add3A_50 = arith.addf %get3A_45, %get3A_49 : vector<16xf32>
      %swap3A = arith.index_cast %scan3A_42 : i32 to index
      %swap3A_51 = arith.constant 0 : index
      %swap3A_52 = tpu.vector_load %arg9[%swap3A, %swap3A_51] {strides = array<i32>} : memref<80x128xf32, #tpu.memory_space<vmem>>, vector<1x16xf32>,
      %swap3A_53 = vector.shape_cast %swap3A_52 : vector<1x16xf32> to vector<16xf32>
      %swap3A_54 = vector.shape_cast %add3A_50 : vector<16xf32> to vector<1x16xf32>
      tpu.vector_store %arg9[%swap3A, %swap3A_51], %swap3A_54 {strides = array<i32>} : memref<80x128xf32, #tpu.memory_space<vmem>>, vector<1x16xf32>,
      %get3A_55 = arith.index_cast %scan3A_42 : i32 to index
      %get3A_56 = arith.constant 16 : index
      %get3A_57 = tpu.vector_load %arg9[%get3A_55, %get3A_56] {strides = array<i32>} : memref<80x128xf32, #tpu.memory_space<vmem>>, vector<1x16xf32>,
      %get3A_58 = vector.shape_cast %get3A_57 : vector<1x16xf32> to vector<16xf32>
      %get3A_59 = arith.index_cast %scan3A_42 : i32 to index
      %get3A_60 = arith.constant 16 : index
      %get3A_61 = tpu.vector_load %arg10[%get3A_59, %get3A_60] {strides = array<i32>} : memref<80x128xf32, #tpu.memory_space<vmem>>, vector<1x16xf32>,
      %get3A_62 = vector.shape_cast %get3A_61 : vector<1x16xf32> to vector<16xf32>
      %add3A_63 = arith.addf %get3A_58, %get3A_62 : vector<16xf32>
      %swap3A_64 = arith.index_cast %scan3A_42 : i32 to index
      %swap3A_65 = arith.constant 16 : index
      %swap3A_66 = tpu.vector_load %arg9[%swap3A_64, %swap3A_65] {strides = array<i32>} : memref<80x128xf32, #tpu.memory_space<vmem>>, vector<1x16xf32>,
      %swap3A_67 = vector.shape_cast %swap3A_66 : vector<1x16xf32> to vector<16xf32>
      %swap3A_68 = vector.shape_cast %add3A_63 : vector<16xf32> to vector<1x16xf32>
      tpu.vector_store %arg9[%swap3A_64, %swap3A_65], %swap3A_68 {strides = array<i32>} : memref<80x128xf32, #tpu.memory_space<vmem>>, vector<1x16xf32>,
      %get3A_69 = arith.index_cast %scan3A_42 : i32 to index
      %get3A_70 = arith.constant 32 : index
      %get3A_71 = tpu.vector_load %arg9[%get3A_69, %get3A_70] {strides = array<i32>} : memref<80x128xf32, #tpu.memory_space<vmem>>, vector<1x16xf32>,
      %get3A_72 = vector.shape_cast %get3A_71 : vector<1x16xf32> to vector<16xf32>
      %get3A_73 = arith.index_cast %scan3A_42 : i32 to index
      %get3A_74 = arith.constant 32 : index
      %get3A_75 = tpu.vector_load %arg10[%get3A_73, %get3A_74] {strides = array<i32>} : memref<80x128xf32, #tpu.memory_space<vmem>>, vector<1x16xf32>,
      %get3A_76 = vector.shape_cast %get3A_75 : vector<1x16xf32> to vector<16xf32>
      %add3A_77 = arith.addf %get3A_72, %get3A_76 : vector<16xf32>
      %swap3A_78 = arith.index_cast %scan3A_42 : i32 to index
      %swap3A_79 = arith.constant 32 : index
      %swap3A_80 = tpu.vector_load %arg9[%swap3A_78, %swap3A_79] {strides = array<i32>} : memref<80x128xf32, #tpu.memory_space<vmem>>, vector<1x16xf32>,
      %swap3A_81 = vector.shape_cast %swap3A_80 : vector<1x16xf32> to vector<16xf32>
      %swap3A_82 = vector.shape_cast %add3A_77 : vector<16xf32> to vector<1x16xf32>
      tpu.vector_store %arg9[%swap3A_78, %swap3A_79], %swap3A_82 {strides = array<i32>} : memref<80x128xf32, #tpu.memory_space<vmem>>, vector<1x16xf32>,
      %get3A_83 = arith.index_cast %scan3A_42 : i32 to index
      %get3A_84 = arith.constant 48 : index
      %get3A_85 = tpu.vector_load %arg9[%get3A_83, %get3A_84] {strides = array<i32>} : memref<80x128xf32, #tpu.memory_space<vmem>>, vector<1x16xf32>,
      %get3A_86 = vector.shape_cast %get3A_85 : vector<1x16xf32> to vector<16xf32>
      %get3A_87 = arith.index_cast %scan3A_42 : i32 to index
      %get3A_88 = arith.constant 48 : index
      %get3A_89 = tpu.vector_load %arg10[%get3A_87, %get3A_88] {strides = array<i32>} : memref<80x128xf32, #tpu.memory_space<vmem>>, vector<1x16xf32>,
      %get3A_90 = vector.shape_cast %get3A_89 : vector<1x16xf32> to vector<16xf32>
      %add3A_91 = arith.addf %get3A_86, %get3A_90 : vector<16xf32>
      %swap3A_92 = arith.index_cast %scan3A_42 : i32 to index
      %swap3A_93 = arith.constant 48 : index
      %swap3A_94 = tpu.vector_load %arg9[%swap3A_92, %swap3A_93] {strides = array<i32>} : memref<80x128xf32, #tpu.memory_space<vmem>>, vector<1x16xf32>,
      %swap3A_95 = vector.shape_cast %swap3A_94 : vector<1x16xf32> to vector<16xf32>
      %swap3A_96 = vector.shape_cast %add3A_91 : vector<16xf32> to vector<1x16xf32>
      tpu.vector_store %arg9[%swap3A_92, %swap3A_93], %swap3A_96 {strides = array<i32>} : memref<80x128xf32, #tpu.memory_space<vmem>>, vector<1x16xf32>,
      %get3A_97 = arith.index_cast %scan3A_42 : i32 to index
      %get3A_98 = arith.constant 64 : index
      %get3A_99 = tpu.vector_load %arg9[%get3A_97, %get3A_98] {strides = array<i32>} : memref<80x128xf32, #tpu.memory_space<vmem>>, vector<1x16xf32>,
      %get3A_100 = vector.shape_cast %get3A_99 : vector<1x16xf32> to vector<16xf32>
      %get3A_101 = arith.index_cast %scan3A_42 : i32 to index
      %get3A_102 = arith.constant 64 : index
      %get3A_103 = tpu.vector_load %arg10[%get3A_101, %get3A_102] {strides = array<i32>} : memref<80x128xf32, #tpu.memory_space<vmem>>, vector<1x16xf32>,
      %get3A_104 = vector.shape_cast %get3A_103 : vector<1x16xf32> to vector<16xf32>
      %add3A_105 = arith.addf %get3A_100, %get3A_104 : vector<16xf32>
      %swap3A_106 = arith.index_cast %scan3A_42 : i32 to index
      %swap3A_107 = arith.constant 64 : index
      %swap3A_108 = tpu.vector_load %arg9[%swap3A_106, %swap3A_107] {strides = array<i32>} : memref<80x128xf32, #tpu.memory_space<vmem>>, vector<1x16xf32>,
      %swap3A_109 = vector.shape_cast %swap3A_108 : vector<1x16xf32> to vector<16xf32>
      %swap3A_110 = vector.shape_cast %add3A_105 : vector<16xf32> to vector<1x16xf32>
      tpu.vector_store %arg9[%swap3A_106, %swap3A_107], %swap3A_110 {strides = array<i32>} : memref<80x128xf32, #tpu.memory_space<vmem>>, vector<1x16xf32>,
      %get3A_111 = arith.index_cast %scan3A_42 : i32 to index
      %get3A_112 = arith.constant 80 : index
      %get3A_113 = tpu.vector_load %arg9[%get3A_111, %get3A_112] {strides = array<i32>} : memref<80x128xf32, #tpu.memory_space<vmem>>, vector<1x16xf32>,
      %get3A_114 = vector.shape_cast %get3A_113 : vector<1x16xf32> to vector<16xf32>
      %get3A_115 = arith.index_cast %scan3A_42 : i32 to index
      %get3A_116 = arith.constant 80 : index
      %get3A_117 = tpu.vector_load %arg10[%get3A_115, %get3A_116] {strides = array<i32>} : memref<80x128xf32, #tpu.memory_space<vmem>>, vector<1x16xf32>,
      %get3A_118 = vector.shape_cast %get3A_117 : vector<1x16xf32> to vector<16xf32>
      %add3A_119 = arith.addf %get3A_114, %get3A_118 : vector<16xf32>
      %swap3A_120 = arith.index_cast %scan3A_42 : i32 to index
      %swap3A_121 = arith.constant 80 : index
      %swap3A_122 = tpu.vector_load %arg9[%swap3A_120, %swap3A_121] {strides = array<i32>} : memref<80x128xf32, #tpu.memory_space<vmem>>, vector<1x16xf32>,
      %swap3A_123 = vector.shape_cast %swap3A_122 : vector<1x16xf32> to vector<16xf32>
      %swap3A_124 = vector.shape_cast %add3A_119 : vector<16xf32> to vector<1x16xf32>
      tpu.vector_store %arg9[%swap3A_120, %swap3A_121], %swap3A_124 {strides = array<i32>} : memref<80x128xf32, #tpu.memory_space<vmem>>, vector<1x16xf32>,
      %get3A_125 = arith.index_cast %scan3A_42 : i32 to index
      %get3A_126 = arith.constant 96 : index
      %get3A_127 = tpu.vector_load %arg9[%get3A_125, %get3A_126] {strides = array<i32>} : memref<80x128xf32, #tpu.memory_space<vmem>>, vector<1x16xf32>,
      %get3A_128 = vector.shape_cast %get3A_127 : vector<1x16xf32> to vector<16xf32>
      %get3A_129 = arith.index_cast %scan3A_42 : i32 to index
      %get3A_130 = arith.constant 96 : index
      %get3A_131 = tpu.vector_load %arg10[%get3A_129, %get3A_130] {strides = array<i32>} : memref<80x128xf32, #tpu.memory_space<vmem>>, vector<1x16xf32>,
      %get3A_132 = vector.shape_cast %get3A_131 : vector<1x16xf32> to vector<16xf32>
      %add3A_133 = arith.addf %get3A_128, %get3A_132 : vector<16xf32>
      %swap3A_134 = arith.index_cast %scan3A_42 : i32 to index
      %swap3A_135 = arith.constant 96 : index
      %swap3A_136 = tpu.vector_load %arg9[%swap3A_134, %swap3A_135] {strides = array<i32>} : memref<80x128xf32, #tpu.memory_space<vmem>>, vector<1x16xf32>,
      %swap3A_137 = vector.shape_cast %swap3A_136 : vector<1x16xf32> to vector<16xf32>
      %swap3A_138 = vector.shape_cast %add3A_133 : vector<16xf32> to vector<1x16xf32>
      tpu.vector_store %arg9[%swap3A_134, %swap3A_135], %swap3A_138 {strides = array<i32>} : memref<80x128xf32, #tpu.memory_space<vmem>>, vector<1x16xf32>,
      %get3A_139 = arith.index_cast %scan3A_42 : i32 to index
      %get3A_140 = arith.constant 112 : index
      %get3A_141 = tpu.vector_load %arg9[%get3A_139, %get3A_140] {strides = array<i32>} : memref<80x128xf32, #tpu.memory_space<vmem>>, vector<1x16xf32>,
      %get3A_142 = vector.shape_cast %get3A_141 : vector<1x16xf32> to vector<16xf32>
      %get3A_143 = arith.index_cast %scan3A_42 : i32 to index
      %get3A_144 = arith.constant 112 : index
      %get3A_145 = tpu.vector_load %arg10[%get3A_143, %get3A_144] {strides = array<i32>} : memref<80x128xf32, #tpu.memory_space<vmem>>, vector<1x16xf32>,
      %get3A_146 = vector.shape_cast %get3A_145 : vector<1x16xf32> to vector<16xf32>
      %add3A_147 = arith.addf %get3A_142, %get3A_146 : vector<16xf32>
      %swap3A_148 = arith.index_cast %scan3A_42 : i32 to index
      %swap3A_149 = arith.constant 112 : index
      %swap3A_150 = tpu.vector_load %arg9[%swap3A_148, %swap3A_149] {strides = array<i32>} : memref<80x128xf32, #tpu.memory_space<vmem>>, vector<1x16xf32>,
      %swap3A_151 = vector.shape_cast %swap3A_150 : vector<1x16xf32> to vector<16xf32>
      %swap3A_152 = vector.shape_cast %add3A_147 : vector<16xf32> to vector<1x16xf32>
      tpu.vector_store %arg9[%swap3A_148, %swap3A_149], %swap3A_152 {strides = array<i32>} : memref<80x128xf32, #tpu.memory_space<vmem>>, vector<1x16xf32>,
    }
    %scan3A_37 = arith.constant 80 : i32
    %mul3A_38 = arith.constant 10000 : i32
    %mul3A_39 = arith.muli %add3A, %mul3A_38 : i32
    %add3A_40 = arith.constant 9920 : i32
    %add3A_41 = arith.addi %mul3A_39, %add3A_40 : i32
    "tpu.region"() ({
      %run_scoped3A = tpu.sem_alloc : memref<!tpu.dma_semaphore, #tpu.memory_space<semaphore_mem>>
      %dma_start3A_42 = arith.constant 0 : i32
      %dma_start3A_43 = tpu.memref_slice %arg6[%add3A_41, %dma_start3A_42] : memref<320000x128xf32, #tpu.memory_space<hbm>> -> memref<80x128xf32, #tpu.memory_space<hbm>>
      %dma_start3A_44 = arith.constant 0 : i32
      %dma_start3A_45 = tpu.memref_slice %arg6[%add3A_41, %dma_start3A_44] : memref<320000x128xf32, #tpu.memory_space<hbm>> -> memref<80x128xf32, #tpu.memory_space<hbm>>
      tpu.enqueue_dma source(%arg9 : memref<80x128xf32, #tpu.memory_space<vmem>>) target(%dma_start3A_45 : memref<80x128xf32, #tpu.memory_space<hbm>>) target_semaphore(%run_scoped3A : memref<!tpu.dma_semaphore, #tpu.memory_space<semaphore_mem>>)
      %dma_wait3A_46 = arith.constant 0 : i32
      %dma_wait3A_47 = tpu.memref_slice %arg6[%add3A_41, %dma_wait3A_46] : memref<320000x128xf32, #tpu.memory_space<hbm>> -> memref<80x128xf32, #tpu.memory_space<hbm>>
      %dma_wait3A_48 = arith.constant 0 : i32
      %dma_wait3A_49 = tpu.memref_slice %arg6[%add3A_41, %dma_wait3A_48] : memref<320000x128xf32, #tpu.memory_space<hbm>> -> memref<80x128xf32, #tpu.memory_space<hbm>>
      tpu.wait_dma2 semaphore(%run_scoped3A : memref<!tpu.dma_semaphore, #tpu.memory_space<semaphore_mem>>) src(%arg9 : memref<80x128xf32, #tpu.memory_space<vmem>>) dst(%dma_wait3A_49 : memref<80x128xf32, #tpu.memory_space<hbm>>)
      tpu.yield
    }) : () -> ()
    return
  }
}

#map = affine_map<(d0, d1) -> (0, 0)>
#map1 = affine_map<(d0, d1) -> (0, 0, 0, 0)>
module attributes {stable_mosaic.version = 14 : i64} {
  func.func @_sc_scatter_body(%arg0: i32, %arg1: i32, %arg2: memref<320000x128xf32, #tpu.memory_space<hbm>>, %arg3: memref<2x16x250x80xi32, #tpu.memory_space<hbm>>, %arg4: memref<10000x128xf32, #tpu.memory_space<hbm>>, %arg5: memref<250x80xi32, #tpu.memory_space<vmem>>, %arg6: memref<80x128xf32, #tpu.memory_space<vmem>>, %arg7: memref<80x128xf32, #tpu.memory_space<vmem>>, %arg8: memref<8x128xf32, #tpu.memory_space<vmem>>, %arg9: memref<5008x128xf32, #tpu.memory_space<vmem_shared>>, %arg10: memref<!tpu.dma_semaphore, #tpu.memory_space<semaphore_mem>>, %arg11: memref<!tpu.dma_semaphore, #tpu.memory_space<semaphore_mem>>) attributes {dimension_semantics = [#tpu.dimension_semantics<core_parallel>, #tpu.dimension_semantics<subcore_parallel>], iteration_bounds = array<i64: 2, 16>, scalar_prefetch = 0 : i64, scratch_operands = 7 : i64, tpu.core_type = #tpu.core_type<sc_vector_subcore>, window_params = [{transform_indices = #map}, {transform_indices = #map1}, {transform_indices = #map}]} {
    %scan3A = arith.constant 0 : i32
    %scan3A_0 = arith.constant 0 : i32
    %scan3A_1 = arith.constant 8 : i32
    %scan3A_2 = arith.addi %scan3A_0, %scan3A_1 : i32
    %scan3A_3 = arith.constant 1 : i32
    scf.for %scan3A_23 = %scan3A_0 to %scan3A_2 step %scan3A_3  : i32 {
      %broadcast_in_dim3A = arith.constant 0.000000e+00 : f32
      %broadcast_in_dim3A_24 = vector.broadcast %broadcast_in_dim3A : f32 to vector<16xf32>
      %swap3A = arith.index_cast %scan3A_23 : i32 to index
      %swap3A_25 = arith.constant 0 : index
      %swap3A_26 = tpu.vector_load %arg8[%swap3A, %swap3A_25] {strides = array<i32>} : memref<8x128xf32, #tpu.memory_space<vmem>>, vector<1x16xf32>,
      %swap3A_27 = vector.shape_cast %swap3A_26 : vector<1x16xf32> to vector<16xf32>
      %swap3A_28 = vector.shape_cast %broadcast_in_dim3A_24 : vector<16xf32> to vector<1x16xf32>
      tpu.vector_store %arg8[%swap3A, %swap3A_25], %swap3A_28 {strides = array<i32>} : memref<8x128xf32, #tpu.memory_space<vmem>>, vector<1x16xf32>,
      %broadcast_in_dim3A_29 = arith.constant 0.000000e+00 : f32
      %broadcast_in_dim3A_30 = vector.broadcast %broadcast_in_dim3A_29 : f32 to vector<16xf32>
      %swap3A_31 = arith.index_cast %scan3A_23 : i32 to index
      %swap3A_32 = arith.constant 16 : index
      %swap3A_33 = tpu.vector_load %arg8[%swap3A_31, %swap3A_32] {strides = array<i32>} : memref<8x128xf32, #tpu.memory_space<vmem>>, vector<1x16xf32>,
      %swap3A_34 = vector.shape_cast %swap3A_33 : vector<1x16xf32> to vector<16xf32>
      %swap3A_35 = vector.shape_cast %broadcast_in_dim3A_30 : vector<16xf32> to vector<1x16xf32>
      tpu.vector_store %arg8[%swap3A_31, %swap3A_32], %swap3A_35 {strides = array<i32>} : memref<8x128xf32, #tpu.memory_space<vmem>>, vector<1x16xf32>,
      %broadcast_in_dim3A_36 = arith.constant 0.000000e+00 : f32
      %broadcast_in_dim3A_37 = vector.broadcast %broadcast_in_dim3A_36 : f32 to vector<16xf32>
      %swap3A_38 = arith.index_cast %scan3A_23 : i32 to index
      %swap3A_39 = arith.constant 32 : index
      %swap3A_40 = tpu.vector_load %arg8[%swap3A_38, %swap3A_39] {strides = array<i32>} : memref<8x128xf32, #tpu.memory_space<vmem>>, vector<1x16xf32>,
      %swap3A_41 = vector.shape_cast %swap3A_40 : vector<1x16xf32> to vector<16xf32>
      %swap3A_42 = vector.shape_cast %broadcast_in_dim3A_37 : vector<16xf32> to vector<1x16xf32>
      tpu.vector_store %arg8[%swap3A_38, %swap3A_39], %swap3A_42 {strides = array<i32>} : memref<8x128xf32, #tpu.memory_space<vmem>>, vector<1x16xf32>,
      %broadcast_in_dim3A_43 = arith.constant 0.000000e+00 : f32
      %broadcast_in_dim3A_44 = vector.broadcast %broadcast_in_dim3A_43 : f32 to vector<16xf32>
      %swap3A_45 = arith.index_cast %scan3A_23 : i32 to index
      %swap3A_46 = arith.constant 48 : index
      %swap3A_47 = tpu.vector_load %arg8[%swap3A_45, %swap3A_46] {strides = array<i32>} : memref<8x128xf32, #tpu.memory_space<vmem>>, vector<1x16xf32>,
      %swap3A_48 = vector.shape_cast %swap3A_47 : vector<1x16xf32> to vector<16xf32>
      %swap3A_49 = vector.shape_cast %broadcast_in_dim3A_44 : vector<16xf32> to vector<1x16xf32>
      tpu.vector_store %arg8[%swap3A_45, %swap3A_46], %swap3A_49 {strides = array<i32>} : memref<8x128xf32, #tpu.memory_space<vmem>>, vector<1x16xf32>,
      %broadcast_in_dim3A_50 = arith.constant 0.000000e+00 : f32
      %broadcast_in_dim3A_51 = vector.broadcast %broadcast_in_dim3A_50 : f32 to vector<16xf32>
      %swap3A_52 = arith.index_cast %scan3A_23 : i32 to index
      %swap3A_53 = arith.constant 64 : index
      %swap3A_54 = tpu.vector_load %arg8[%swap3A_52, %swap3A_53] {strides = array<i32>} : memref<8x128xf32, #tpu.memory_space<vmem>>, vector<1x16xf32>,
      %swap3A_55 = vector.shape_cast %swap3A_54 : vector<1x16xf32> to vector<16xf32>
      %swap3A_56 = vector.shape_cast %broadcast_in_dim3A_51 : vector<16xf32> to vector<1x16xf32>
      tpu.vector_store %arg8[%swap3A_52, %swap3A_53], %swap3A_56 {strides = array<i32>} : memref<8x128xf32, #tpu.memory_space<vmem>>, vector<1x16xf32>,
      %broadcast_in_dim3A_57 = arith.constant 0.000000e+00 : f32
      %broadcast_in_dim3A_58 = vector.broadcast %broadcast_in_dim3A_57 : f32 to vector<16xf32>
      %swap3A_59 = arith.index_cast %scan3A_23 : i32 to index
      %swap3A_60 = arith.constant 80 : index
      %swap3A_61 = tpu.vector_load %arg8[%swap3A_59, %swap3A_60] {strides = array<i32>} : memref<8x128xf32, #tpu.memory_space<vmem>>, vector<1x16xf32>,
      %swap3A_62 = vector.shape_cast %swap3A_61 : vector<1x16xf32> to vector<16xf32>
      %swap3A_63 = vector.shape_cast %broadcast_in_dim3A_58 : vector<16xf32> to vector<1x16xf32>
      tpu.vector_store %arg8[%swap3A_59, %swap3A_60], %swap3A_63 {strides = array<i32>} : memref<8x128xf32, #tpu.memory_space<vmem>>, vector<1x16xf32>,
      %broadcast_in_dim3A_64 = arith.constant 0.000000e+00 : f32
      %broadcast_in_dim3A_65 = vector.broadcast %broadcast_in_dim3A_64 : f32 to vector<16xf32>
      %swap3A_66 = arith.index_cast %scan3A_23 : i32 to index
      %swap3A_67 = arith.constant 96 : index
      %swap3A_68 = tpu.vector_load %arg8[%swap3A_66, %swap3A_67] {strides = array<i32>} : memref<8x128xf32, #tpu.memory_space<vmem>>, vector<1x16xf32>,
      %swap3A_69 = vector.shape_cast %swap3A_68 : vector<1x16xf32> to vector<16xf32>
      %swap3A_70 = vector.shape_cast %broadcast_in_dim3A_65 : vector<16xf32> to vector<1x16xf32>
      tpu.vector_store %arg8[%swap3A_66, %swap3A_67], %swap3A_70 {strides = array<i32>} : memref<8x128xf32, #tpu.memory_space<vmem>>, vector<1x16xf32>,
      %broadcast_in_dim3A_71 = arith.constant 0.000000e+00 : f32
      %broadcast_in_dim3A_72 = vector.broadcast %broadcast_in_dim3A_71 : f32 to vector<16xf32>
      %swap3A_73 = arith.index_cast %scan3A_23 : i32 to index
      %swap3A_74 = arith.constant 112 : index
      %swap3A_75 = tpu.vector_load %arg8[%swap3A_73, %swap3A_74] {strides = array<i32>} : memref<8x128xf32, #tpu.memory_space<vmem>>, vector<1x16xf32>,
      %swap3A_76 = vector.shape_cast %swap3A_75 : vector<1x16xf32> to vector<16xf32>
      %swap3A_77 = vector.shape_cast %broadcast_in_dim3A_72 : vector<16xf32> to vector<1x16xf32>
      tpu.vector_store %arg8[%swap3A_73, %swap3A_74], %swap3A_77 {strides = array<i32>} : memref<8x128xf32, #tpu.memory_space<vmem>>, vector<1x16xf32>,
    }
    %scan3A_4 = arith.constant 8 : i32
    %lt3A = arith.constant 5 : i32
    %lt3A_5 = arith.cmpi slt, %arg1, %lt3A : i32
    %convert_element_type3A = arith.extui %lt3A_5 : i1 to i32
    %cond3A = arith.constant 0 : i32
    %cond3A_6 = arith.cmpi ne, %convert_element_type3A, %cond3A : i32
    scf.if %cond3A_6 {
      %scan3A_23 = arith.constant 0 : i32
      %scan3A_24 = arith.constant 0 : i32
      %scan3A_25 = arith.constant 125 : i32
      %scan3A_26 = arith.addi %scan3A_24, %scan3A_25 : i32
      %scan3A_27 = arith.constant 1 : i32
      scf.for %scan3A_29 = %scan3A_24 to %scan3A_26 step %scan3A_27  : i32 {
        %mul3A = arith.constant 1000 : i32
        %mul3A_30 = arith.muli %arg1, %mul3A : i32
        %mul3A_31 = arith.constant 8 : i32
        %mul3A_32 = arith.muli %scan3A_29, %mul3A_31 : i32
        %add3A = arith.addi %mul3A_30, %mul3A_32 : i32
        "tpu.region"() ({
          %run_scoped3A = tpu.sem_alloc : memref<!tpu.dma_semaphore, #tpu.memory_space<semaphore_mem>>
          %dma_start3A = arith.constant 0 : i32
          %dma_start3A_33 = tpu.memref_slice %arg9[%add3A, %dma_start3A] : memref<5008x128xf32, #tpu.memory_space<vmem_shared>> -> memref<8x128xf32, #tpu.memory_space<vmem_shared>>
          %dma_start3A_34 = arith.constant 0 : i32
          %dma_start3A_35 = tpu.memref_slice %arg9[%add3A, %dma_start3A_34] : memref<5008x128xf32, #tpu.memory_space<vmem_shared>> -> memref<8x128xf32, #tpu.memory_space<vmem_shared>>
          tpu.enqueue_dma source(%arg8 : memref<8x128xf32, #tpu.memory_space<vmem>>) target(%dma_start3A_35 : memref<8x128xf32, #tpu.memory_space<vmem_shared>>) target_semaphore(%run_scoped3A : memref<!tpu.dma_semaphore, #tpu.memory_space<semaphore_mem>>)
          %dma_wait3A = arith.constant 0 : i32
          %dma_wait3A_36 = tpu.memref_slice %arg9[%add3A, %dma_wait3A] : memref<5008x128xf32, #tpu.memory_space<vmem_shared>> -> memref<8x128xf32, #tpu.memory_space<vmem_shared>>
          %dma_wait3A_37 = arith.constant 0 : i32
          %dma_wait3A_38 = tpu.memref_slice %arg9[%add3A, %dma_wait3A_37] : memref<5008x128xf32, #tpu.memory_space<vmem_shared>> -> memref<8x128xf32, #tpu.memory_space<vmem_shared>>
          tpu.wait_dma2 semaphore(%run_scoped3A : memref<!tpu.dma_semaphore, #tpu.memory_space<semaphore_mem>>) src(%arg8 : memref<8x128xf32, #tpu.memory_space<vmem>>) dst(%dma_wait3A_38 : memref<8x128xf32, #tpu.memory_space<vmem_shared>>)
          tpu.yield
        }) : () -> ()
      }
      %scan3A_28 = arith.constant 125 : i32
    } else {
    }
    %eq3A = arith.constant 5 : i32
    %eq3A_7 = arith.cmpi eq, %arg1, %eq3A : i32
    %convert_element_type3A_8 = arith.extui %eq3A_7 : i1 to i32
    %cond3A_9 = arith.constant 0 : i32
    %cond3A_10 = arith.cmpi ne, %convert_element_type3A_8, %cond3A_9 : i32
    scf.if %cond3A_10 {
      "tpu.region"() ({
        %run_scoped3A = tpu.sem_alloc : memref<!tpu.dma_semaphore, #tpu.memory_space<semaphore_mem>>
        %dma_start3A = arith.constant 5000 : i32
        %dma_start3A_23 = arith.constant 0 : i32
        %dma_start3A_24 = tpu.memref_slice %arg9[%dma_start3A, %dma_start3A_23] : memref<5008x128xf32, #tpu.memory_space<vmem_shared>> -> memref<8x128xf32, #tpu.memory_space<vmem_shared>>
        %dma_start3A_25 = arith.constant 5000 : i32
        %dma_start3A_26 = arith.constant 0 : i32
        %dma_start3A_27 = tpu.memref_slice %arg9[%dma_start3A_25, %dma_start3A_26] : memref<5008x128xf32, #tpu.memory_space<vmem_shared>> -> memref<8x128xf32, #tpu.memory_space<vmem_shared>>
        tpu.enqueue_dma source(%arg8 : memref<8x128xf32, #tpu.memory_space<vmem>>) target(%dma_start3A_27 : memref<8x128xf32, #tpu.memory_space<vmem_shared>>) target_semaphore(%run_scoped3A : memref<!tpu.dma_semaphore, #tpu.memory_space<semaphore_mem>>)
        %dma_wait3A = arith.constant 5000 : i32
        %dma_wait3A_28 = arith.constant 0 : i32
        %dma_wait3A_29 = tpu.memref_slice %arg9[%dma_wait3A, %dma_wait3A_28] : memref<5008x128xf32, #tpu.memory_space<vmem_shared>> -> memref<8x128xf32, #tpu.memory_space<vmem_shared>>
        %dma_wait3A_30 = arith.constant 5000 : i32
        %dma_wait3A_31 = arith.constant 0 : i32
        %dma_wait3A_32 = tpu.memref_slice %arg9[%dma_wait3A_30, %dma_wait3A_31] : memref<5008x128xf32, #tpu.memory_space<vmem_shared>> -> memref<8x128xf32, #tpu.memory_space<vmem_shared>>
        tpu.wait_dma2 semaphore(%run_scoped3A : memref<!tpu.dma_semaphore, #tpu.memory_space<semaphore_mem>>) src(%arg8 : memref<8x128xf32, #tpu.memory_space<vmem>>) dst(%dma_wait3A_32 : memref<8x128xf32, #tpu.memory_space<vmem_shared>>)
        tpu.yield
      }) : () -> ()
    } else {
    }
    %barrier3A = arith.constant 0 : index
    tpu.barrier barrier_id(%barrier3A)
    "tpu.region"() ({
      %run_scoped3A = tpu.sem_alloc : memref<!tpu.dma_semaphore, #tpu.memory_space<semaphore_mem>>
      %dma_start3A = arith.constant 0 : i32
      %dma_start3A_23 = arith.constant 0 : i32
      %dma_start3A_24 = tpu.memref_slice %arg3[%arg0, %arg1, %dma_start3A, %dma_start3A_23] : memref<2x16x250x80xi32, #tpu.memory_space<hbm>> -> memref<1x1x250x80xi32, #tpu.memory_space<hbm>>
      %dma_start3A_25 = tpu.memref_squeeze %dma_start3A_24 : memref<1x1x250x80xi32, #tpu.memory_space<hbm>> -> memref<250x80xi32, #tpu.memory_space<hbm>>
      %dma_start3A_26 = arith.constant 0 : i32
      %dma_start3A_27 = arith.constant 0 : i32
      %dma_start3A_28 = tpu.memref_slice %arg3[%arg0, %arg1, %dma_start3A_26, %dma_start3A_27] : memref<2x16x250x80xi32, #tpu.memory_space<hbm>> -> memref<1x1x250x80xi32, #tpu.memory_space<hbm>>
      %dma_start3A_29 = tpu.memref_squeeze %dma_start3A_28 : memref<1x1x250x80xi32, #tpu.memory_space<hbm>> -> memref<250x80xi32, #tpu.memory_space<hbm>>
      tpu.enqueue_dma source(%dma_start3A_29 : memref<250x80xi32, #tpu.memory_space<hbm>>) target(%arg5 : memref<250x80xi32, #tpu.memory_space<vmem>>) target_semaphore(%run_scoped3A : memref<!tpu.dma_semaphore, #tpu.memory_space<semaphore_mem>>)
      %dma_wait3A = arith.constant 0 : i32
      %dma_wait3A_30 = arith.constant 0 : i32
      %dma_wait3A_31 = tpu.memref_slice %arg3[%arg0, %arg1, %dma_wait3A, %dma_wait3A_30] : memref<2x16x250x80xi32, #tpu.memory_space<hbm>> -> memref<1x1x250x80xi32, #tpu.memory_space<hbm>>
      %dma_wait3A_32 = tpu.memref_squeeze %dma_wait3A_31 : memref<1x1x250x80xi32, #tpu.memory_space<hbm>> -> memref<250x80xi32, #tpu.memory_space<hbm>>
      %dma_wait3A_33 = arith.constant 0 : i32
      %dma_wait3A_34 = arith.constant 0 : i32
      %dma_wait3A_35 = tpu.memref_slice %arg3[%arg0, %arg1, %dma_wait3A_33, %dma_wait3A_34] : memref<2x16x250x80xi32, #tpu.memory_space<hbm>> -> memref<1x1x250x80xi32, #tpu.memory_space<hbm>>
      %dma_wait3A_36 = tpu.memref_squeeze %dma_wait3A_35 : memref<1x1x250x80xi32, #tpu.memory_space<hbm>> -> memref<250x80xi32, #tpu.memory_space<hbm>>
      tpu.wait_dma2 semaphore(%run_scoped3A : memref<!tpu.dma_semaphore, #tpu.memory_space<semaphore_mem>>) src(%dma_wait3A_36 : memref<250x80xi32, #tpu.memory_space<hbm>>) dst(%arg5 : memref<250x80xi32, #tpu.memory_space<vmem>>)
      tpu.yield
    }) : () -> ()
    %scan3A_11 = arith.constant 0 : i32
    %scan3A_12 = arith.constant 0 : i32
    %scan3A_13 = arith.constant 125 : i32
    %scan3A_14 = arith.addi %scan3A_12, %scan3A_13 : i32
    %scan3A_15 = arith.constant 1 : i32
    scf.for %scan3A_23 = %scan3A_12 to %scan3A_14 step %scan3A_15  : i32 {
      %mul3A = arith.constant 2 : i32
      %mul3A_24 = arith.muli %mul3A, %scan3A_23 : i32
      %mul3A_25 = arith.constant 2 : i32
      %mul3A_26 = arith.muli %mul3A_25, %scan3A_23 : i32
      %add3A = arith.constant 1 : i32
      %add3A_27 = arith.addi %mul3A_26, %add3A : i32
      %mul3A_28 = arith.constant 20000 : i32
      %mul3A_29 = arith.muli %arg1, %mul3A_28 : i32
      %mul3A_30 = arith.constant 80 : i32
      %mul3A_31 = arith.muli %mul3A_24, %mul3A_30 : i32
      %add3A_32 = arith.addi %mul3A_29, %mul3A_31 : i32
      %dma_start3A = arith.constant 0 : i32
      %dma_start3A_33 = tpu.memref_slice %arg2[%add3A_32, %dma_start3A] : memref<320000x128xf32, #tpu.memory_space<hbm>> -> memref<80x128xf32, #tpu.memory_space<hbm>>
      %dma_start3A_34 = arith.constant 0 : i32
      %dma_start3A_35 = tpu.memref_slice %arg2[%add3A_32, %dma_start3A_34] : memref<320000x128xf32, #tpu.memory_space<hbm>> -> memref<80x128xf32, #tpu.memory_space<hbm>>
      tpu.enqueue_dma source(%dma_start3A_35 : memref<80x128xf32, #tpu.memory_space<hbm>>) target(%arg6 : memref<80x128xf32, #tpu.memory_space<vmem>>) target_semaphore(%arg10 : memref<!tpu.dma_semaphore, #tpu.memory_space<semaphore_mem>>)
      %mul3A_36 = arith.constant 20000 : i32
      %mul3A_37 = arith.muli %arg1, %mul3A_36 : i32
      %mul3A_38 = arith.constant 80 : i32
      %mul3A_39 = arith.muli %add3A_27, %mul3A_38 : i32
      %add3A_40 = arith.addi %mul3A_37, %mul3A_39 : i32
      %dma_start3A_41 = arith.constant 0 : i32
      %dma_start3A_42 = tpu.memref_slice %arg2[%add3A_40, %dma_start3A_41] : memref<320000x128xf32, #tpu.memory_space<hbm>> -> memref<80x128xf32, #tpu.memory_space<hbm>>
      %dma_start3A_43 = arith.constant 0 : i32
      %dma_start3A_44 = tpu.memref_slice %arg2[%add3A_40, %dma_start3A_43] : memref<320000x128xf32, #tpu.memory_space<hbm>> -> memref<80x128xf32, #tpu.memory_space<hbm>>
      tpu.enqueue_dma source(%dma_start3A_44 : memref<80x128xf32, #tpu.memory_space<hbm>>) target(%arg7 : memref<80x128xf32, #tpu.memory_space<vmem>>) target_semaphore(%arg10 : memref<!tpu.dma_semaphore, #tpu.memory_space<semaphore_mem>>)
      %dma_wait3A = arith.constant 0 : i32
      %dma_wait3A_45 = tpu.memref_slice %arg2[%add3A_32, %dma_wait3A] : memref<320000x128xf32, #tpu.memory_space<hbm>> -> memref<80x128xf32, #tpu.memory_space<hbm>>
      %dma_wait3A_46 = arith.constant 0 : i32
      %dma_wait3A_47 = tpu.memref_slice %arg2[%add3A_32, %dma_wait3A_46] : memref<320000x128xf32, #tpu.memory_space<hbm>> -> memref<80x128xf32, #tpu.memory_space<hbm>>
      tpu.wait_dma2 semaphore(%arg10 : memref<!tpu.dma_semaphore, #tpu.memory_space<semaphore_mem>>) src(%dma_wait3A_47 : memref<80x128xf32, #tpu.memory_space<hbm>>) dst(%arg6 : memref<80x128xf32, #tpu.memory_space<vmem>>)
      %dma_start3A_48 = arith.constant 0 : i32
      %dma_start3A_49 = tpu.memref_slice %arg5[%mul3A_24, %dma_start3A_48] : memref<250x80xi32, #tpu.memory_space<vmem>> -> memref<1x80xi32, #tpu.memory_space<vmem>>
      %dma_start3A_50 = tpu.memref_squeeze %dma_start3A_49 : memref<1x80xi32, #tpu.memory_space<vmem>> -> memref<80xi32, #tpu.memory_space<vmem>>
      %dma_start3A_51 = arith.constant 0 : i32
      %dma_start3A_52 = arith.constant 0 : i32
      %dma_start3A_53 = tpu.memref_slice %arg9[%dma_start3A_51, %dma_start3A_52] : memref<5008x128xf32, #tpu.memory_space<vmem_shared>> -> memref<5008x128xf32, #tpu.memory_space<vmem_shared>>
      tpu.enqueue_indirect_dma source(%arg6 : memref<80x128xf32, #tpu.memory_space<vmem>>) target(%dma_start3A_53 : memref<5008x128xf32, #tpu.memory_space<vmem_shared>>) offsets(%dma_start3A_50 : memref<80xi32, #tpu.memory_space<vmem>>) semaphore(%arg11 : memref<!tpu.dma_semaphore, #tpu.memory_space<semaphore_mem>>) {add = true}
      %dma_wait3A_54 = arith.constant 0 : i32
      %dma_wait3A_55 = tpu.memref_slice %arg2[%add3A_40, %dma_wait3A_54] : memref<320000x128xf32, #tpu.memory_space<hbm>> -> memref<80x128xf32, #tpu.memory_space<hbm>>
      %dma_wait3A_56 = arith.constant 0 : i32
      %dma_wait3A_57 = tpu.memref_slice %arg2[%add3A_40, %dma_wait3A_56] : memref<320000x128xf32, #tpu.memory_space<hbm>> -> memref<80x128xf32, #tpu.memory_space<hbm>>
      tpu.wait_dma2 semaphore(%arg10 : memref<!tpu.dma_semaphore, #tpu.memory_space<semaphore_mem>>) src(%dma_wait3A_57 : memref<80x128xf32, #tpu.memory_space<hbm>>) dst(%arg7 : memref<80x128xf32, #tpu.memory_space<vmem>>)
      %dma_start3A_58 = arith.constant 0 : i32
      %dma_start3A_59 = tpu.memref_slice %arg5[%add3A_27, %dma_start3A_58] : memref<250x80xi32, #tpu.memory_space<vmem>> -> memref<1x80xi32, #tpu.memory_space<vmem>>
      %dma_start3A_60 = tpu.memref_squeeze %dma_start3A_59 : memref<1x80xi32, #tpu.memory_space<vmem>> -> memref<80xi32, #tpu.memory_space<vmem>>
      %dma_start3A_61 = arith.constant 0 : i32
      %dma_start3A_62 = arith.constant 0 : i32
      %dma_start3A_63 = tpu.memref_slice %arg9[%dma_start3A_61, %dma_start3A_62] : memref<5008x128xf32, #tpu.memory_space<vmem_shared>> -> memref<5008x128xf32, #tpu.memory_space<vmem_shared>>
      tpu.enqueue_indirect_dma source(%arg7 : memref<80x128xf32, #tpu.memory_space<vmem>>) target(%dma_start3A_63 : memref<5008x128xf32, #tpu.memory_space<vmem_shared>>) offsets(%dma_start3A_60 : memref<80xi32, #tpu.memory_space<vmem>>) semaphore(%arg11 : memref<!tpu.dma_semaphore, #tpu.memory_space<semaphore_mem>>) {add = true}
      %dma_wait3A_64 = arith.constant 0 : i32
      %dma_wait3A_65 = tpu.memref_slice %arg5[%mul3A_24, %dma_wait3A_64] : memref<250x80xi32, #tpu.memory_space<vmem>> -> memref<1x80xi32, #tpu.memory_space<vmem>>
      %dma_wait3A_66 = tpu.memref_squeeze %dma_wait3A_65 : memref<1x80xi32, #tpu.memory_space<vmem>> -> memref<80xi32, #tpu.memory_space<vmem>>
      %dma_wait3A_67 = arith.constant 0 : i32
      %dma_wait3A_68 = arith.constant 0 : i32
      %dma_wait3A_69 = tpu.memref_slice %arg9[%dma_wait3A_67, %dma_wait3A_68] : memref<5008x128xf32, #tpu.memory_space<vmem_shared>> -> memref<5008x128xf32, #tpu.memory_space<vmem_shared>>
      tpu.wait_indirect_dma semaphore(%arg11 : memref<!tpu.dma_semaphore, #tpu.memory_space<semaphore_mem>>) src(%arg6 : memref<80x128xf32, #tpu.memory_space<vmem>>) dst(%dma_wait3A_69 : memref<5008x128xf32, #tpu.memory_space<vmem_shared>>)
      %dma_wait3A_70 = arith.constant 0 : i32
      %dma_wait3A_71 = tpu.memref_slice %arg5[%add3A_27, %dma_wait3A_70] : memref<250x80xi32, #tpu.memory_space<vmem>> -> memref<1x80xi32, #tpu.memory_space<vmem>>
      %dma_wait3A_72 = tpu.memref_squeeze %dma_wait3A_71 : memref<1x80xi32, #tpu.memory_space<vmem>> -> memref<80xi32, #tpu.memory_space<vmem>>
      %dma_wait3A_73 = arith.constant 0 : i32
      %dma_wait3A_74 = arith.constant 0 : i32
      %dma_wait3A_75 = tpu.memref_slice %arg9[%dma_wait3A_73, %dma_wait3A_74] : memref<5008x128xf32, #tpu.memory_space<vmem_shared>> -> memref<5008x128xf32, #tpu.memory_space<vmem_shared>>
      tpu.wait_indirect_dma semaphore(%arg11 : memref<!tpu.dma_semaphore, #tpu.memory_space<semaphore_mem>>) src(%arg7 : memref<80x128xf32, #tpu.memory_space<vmem>>) dst(%dma_wait3A_75 : memref<5008x128xf32, #tpu.memory_space<vmem_shared>>)
    }
    %scan3A_16 = arith.constant 125 : i32
    %barrier3A_17 = arith.constant 0 : index
    tpu.barrier barrier_id(%barrier3A_17)
    %lt3A_18 = arith.constant 5 : i32
    %lt3A_19 = arith.cmpi slt, %arg1, %lt3A_18 : i32
    %convert_element_type3A_20 = arith.extui %lt3A_19 : i1 to i32
    %cond3A_21 = arith.constant 0 : i32
    %cond3A_22 = arith.cmpi ne, %convert_element_type3A_20, %cond3A_21 : i32
    scf.if %cond3A_22 {
      %mul3A = arith.constant 1000 : i32
      %mul3A_23 = arith.muli %arg1, %mul3A : i32
      %mul3A_24 = arith.constant 5000 : i32
      %mul3A_25 = arith.muli %arg0, %mul3A_24 : i32
      %mul3A_26 = arith.constant 1000 : i32
      %mul3A_27 = arith.muli %arg1, %mul3A_26 : i32
      %add3A = arith.addi %mul3A_25, %mul3A_27 : i32
      "tpu.region"() ({
        %run_scoped3A = tpu.sem_alloc : memref<!tpu.dma_semaphore, #tpu.memory_space<semaphore_mem>>
        %dma_start3A = arith.constant 0 : i32
        %dma_start3A_28 = tpu.memref_slice %arg4[%add3A, %dma_start3A] : memref<10000x128xf32, #tpu.memory_space<hbm>> -> memref<1000x128xf32, #tpu.memory_space<hbm>>
        %dma_start3A_29 = arith.constant 0 : i32
        %dma_start3A_30 = tpu.memref_slice %arg9[%mul3A_23, %dma_start3A_29] : memref<5008x128xf32, #tpu.memory_space<vmem_shared>> -> memref<1000x128xf32, #tpu.memory_space<vmem_shared>>
        tpu.enqueue_dma source(%dma_start3A_30 : memref<1000x128xf32, #tpu.memory_space<vmem_shared>>) target(%dma_start3A_28 : memref<1000x128xf32, #tpu.memory_space<hbm>>) target_semaphore(%run_scoped3A : memref<!tpu.dma_semaphore, #tpu.memory_space<semaphore_mem>>)
        %dma_wait3A = arith.constant 0 : i32
        %dma_wait3A_31 = tpu.memref_slice %arg4[%add3A, %dma_wait3A] : memref<10000x128xf32, #tpu.memory_space<hbm>> -> memref<1000x128xf32, #tpu.memory_space<hbm>>
        %dma_wait3A_32 = arith.constant 0 : i32
        %dma_wait3A_33 = tpu.memref_slice %arg9[%mul3A_23, %dma_wait3A_32] : memref<5008x128xf32, #tpu.memory_space<vmem_shared>> -> memref<1000x128xf32, #tpu.memory_space<vmem_shared>>
        tpu.wait_dma2 semaphore(%run_scoped3A : memref<!tpu.dma_semaphore, #tpu.memory_space<semaphore_mem>>) src(%dma_wait3A_33 : memref<1000x128xf32, #tpu.memory_space<vmem_shared>>) dst(%dma_wait3A_31 : memref<1000x128xf32, #tpu.memory_space<hbm>>)
        tpu.yield
      }) : () -> ()
    } else {
    }
    return
  }
}

module attributes {stable_mosaic.version = 14 : i64} {
  func.func @_edge_kernel(%arg0: i32, %arg1: memref<3200x128xf32, #tpu.memory_space<vmem>>, %arg2: memref<3200x1xf32, #tpu.memory_space<vmem>>, %arg3: memref<64x64xf32, #tpu.memory_space<vmem>>, %arg4: memref<64x64xf32, #tpu.memory_space<vmem>>, %arg5: memref<8x64xf32, #tpu.memory_space<vmem>>, %arg6: memref<3200x128xf32, #tpu.memory_space<vmem>>) attributes {dimension_semantics = [#tpu.dimension_semantics<arbitrary>], iteration_bounds = array<i64: 100>, scalar_prefetch = 0 : i64, scratch_operands = 0 : i64, tpu.core_type = #tpu.core_type<tc>, window_params = [{transform_indices = @transform_0, window_bounds = array<i64: 3200, 128>}, {transform_indices = @transform_1, window_bounds = array<i64: 3200, 1>}, {pipeline_mode = #tpu.pipeline_mode<synchronous>, transform_indices = @transform_2, window_bounds = array<i64: 64, 64>}, {pipeline_mode = #tpu.pipeline_mode<synchronous>, transform_indices = @transform_3, window_bounds = array<i64: 64, 64>}, {pipeline_mode = #tpu.pipeline_mode<synchronous>, transform_indices = @transform_4, window_bounds = array<i64: 8, 64>}, {transform_indices = @transform_5, window_bounds = array<i64: 3200, 128>}]} {
    %get3A = arith.constant 0 : index
    %get3A_0 = arith.constant 0 : index
    %get3A_1 = vector.load %arg1[%get3A, %get3A_0] : memref<3200x128xf32, #tpu.memory_space<vmem>>, vector<3200x128xf32>
    %get3A_2 = arith.constant 0 : index
    %get3A_3 = arith.constant 0 : index
    %get3A_4 = vector.load %arg5[%get3A_2, %get3A_3] : memref<8x64xf32, #tpu.memory_space<vmem>>, vector<8x64xf32>
    %slice3A = vector.extract_strided_slice %get3A_1 {offsets = [0, 0], sizes = [3200, 64], strides = [1, 1]} : vector<3200x128xf32> to vector<3200x64xf32>
    %slice3A_5 = vector.extract_strided_slice %get3A_1 {offsets = [0, 64], sizes = [3200, 8], strides = [1, 1]} : vector<3200x128xf32> to vector<3200x8xf32>
    %mul3A = arith.mulf %slice3A_5, %slice3A_5 : vector<3200x8xf32>
    %reduce_sum3A = arith.constant dense<0.000000e+00> : vector<3200xf32>
    %reduce_sum3A_6 = vector.multi_reduction <add>, %mul3A, %reduce_sum3A [1] : vector<3200x8xf32> to vector<3200xf32>
    %broadcast_in_dim3A = vector.shape_cast %reduce_sum3A_6 : vector<3200xf32> to vector<3200x1xf32>
    %get3A_7 = arith.constant 0 : index
    %get3A_8 = arith.constant 0 : index
    %get3A_9 = vector.load %arg2[%get3A_7, %get3A_8] : memref<3200x1xf32, #tpu.memory_space<vmem>>, vector<3200x1xf32>
    %slice3A_10 = vector.extract_strided_slice %get3A_4 {offsets = [0, 0], sizes = [1, 64], strides = [1, 1]} : vector<8x64xf32> to vector<1x64xf32>
    %mul3A_11 = vector.broadcast %broadcast_in_dim3A : vector<3200x1xf32> to vector<3200x64xf32>
    %mul3A_12 = vector.broadcast %slice3A_10 : vector<1x64xf32> to vector<3200x64xf32>
    %mul3A_13 = arith.mulf %mul3A_11, %mul3A_12 : vector<3200x64xf32>
    %add3A = arith.addf %slice3A, %mul3A_13 : vector<3200x64xf32>
    %slice3A_14 = vector.extract_strided_slice %get3A_4 {offsets = [1, 0], sizes = [1, 64], strides = [1, 1]} : vector<8x64xf32> to vector<1x64xf32>
    %mul3A_15 = vector.broadcast %get3A_9 : vector<3200x1xf32> to vector<3200x64xf32>
    %mul3A_16 = vector.broadcast %slice3A_14 : vector<1x64xf32> to vector<3200x64xf32>
    %mul3A_17 = arith.mulf %mul3A_15, %mul3A_16 : vector<3200x64xf32>
    %add3A_18 = arith.addf %add3A, %mul3A_17 : vector<3200x64xf32>
    %slice3A_19 = vector.extract_strided_slice %get3A_4 {offsets = [2, 0], sizes = [1, 64], strides = [1, 1]} : vector<8x64xf32> to vector<1x64xf32>
    %add3A_20 = vector.broadcast %slice3A_19 : vector<1x64xf32> to vector<3200x64xf32>
    %add3A_21 = arith.addf %add3A_18, %add3A_20 : vector<3200x64xf32>
    %logistic3A = arith.negf %add3A_21 : vector<3200x64xf32>
    %logistic3A_22 = math.exp %logistic3A : vector<3200x64xf32>
    %logistic3A_23 = arith.constant 1.000000e+00 : f32
    %logistic3A_24 = vector.broadcast %logistic3A_23 : f32 to vector<3200x64xf32>
    %logistic3A_25 = arith.addf %logistic3A_24, %logistic3A_22 : vector<3200x64xf32>
    %logistic3A_26 = arith.divf %logistic3A_24, %logistic3A_25 : vector<3200x64xf32>
    %mul3A_27 = arith.mulf %add3A_21, %logistic3A_26 : vector<3200x64xf32>
    %get3A_28 = arith.constant 0 : index
    %get3A_29 = arith.constant 0 : index
    %get3A_30 = vector.load %arg3[%get3A_28, %get3A_29] : memref<64x64xf32, #tpu.memory_space<vmem>>, vector<64x64xf32>
    %dot_general3A = arith.constant dense<0.000000e+00> : vector<3200x64xf32>
    %dot_general3A_31 = tpu.matmul %mul3A_27, %get3A_30, %dot_general3A {dimension_numbers = #tpu.dot_dimension_numbers<[1], [0], [0], [1], [0, 0, 1, 1], [], []>, transpose_lhs_hint = false} : vector<3200x64xf32>, vector<64x64xf32>, vector<3200x64xf32> -> vector<3200x64xf32>
    %slice3A_32 = vector.extract_strided_slice %get3A_4 {offsets = [3, 0], sizes = [1, 64], strides = [1, 1]} : vector<8x64xf32> to vector<1x64xf32>
    %add3A_33 = vector.broadcast %slice3A_32 : vector<1x64xf32> to vector<3200x64xf32>
    %add3A_34 = arith.addf %dot_general3A_31, %add3A_33 : vector<3200x64xf32>
    %logistic3A_35 = arith.negf %add3A_34 : vector<3200x64xf32>
    %logistic3A_36 = math.exp %logistic3A_35 : vector<3200x64xf32>
    %logistic3A_37 = arith.constant 1.000000e+00 : f32
    %logistic3A_38 = vector.broadcast %logistic3A_37 : f32 to vector<3200x64xf32>
    %logistic3A_39 = arith.addf %logistic3A_38, %logistic3A_36 : vector<3200x64xf32>
    %logistic3A_40 = arith.divf %logistic3A_38, %logistic3A_39 : vector<3200x64xf32>
    %mul3A_41 = arith.mulf %add3A_34, %logistic3A_40 : vector<3200x64xf32>
    %get3A_42 = arith.constant 0 : index
    %get3A_43 = arith.constant 0 : index
    %get3A_44 = vector.load %arg4[%get3A_42, %get3A_43] : memref<64x64xf32, #tpu.memory_space<vmem>>, vector<64x64xf32>
    %dot_general3A_45 = arith.constant dense<0.000000e+00> : vector<3200x64xf32>
    %dot_general3A_46 = tpu.matmul %mul3A_41, %get3A_44, %dot_general3A_45 {dimension_numbers = #tpu.dot_dimension_numbers<[1], [0], [0], [1], [0, 0, 1, 1], [], []>, transpose_lhs_hint = false} : vector<3200x64xf32>, vector<64x64xf32>, vector<3200x64xf32> -> vector<3200x64xf32>
    %slice3A_47 = vector.extract_strided_slice %get3A_4 {offsets = [4, 0], sizes = [1, 64], strides = [1, 1]} : vector<8x64xf32> to vector<1x64xf32>
    %add3A_48 = vector.broadcast %slice3A_47 : vector<1x64xf32> to vector<3200x64xf32>
    %add3A_49 = arith.addf %dot_general3A_46, %add3A_48 : vector<3200x64xf32>
    %logistic3A_50 = arith.negf %add3A_49 : vector<3200x64xf32>
    %logistic3A_51 = math.exp %logistic3A_50 : vector<3200x64xf32>
    %logistic3A_52 = arith.constant 1.000000e+00 : f32
    %logistic3A_53 = vector.broadcast %logistic3A_52 : f32 to vector<3200x64xf32>
    %logistic3A_54 = arith.addf %logistic3A_53, %logistic3A_51 : vector<3200x64xf32>
    %logistic3A_55 = arith.divf %logistic3A_53, %logistic3A_54 : vector<3200x64xf32>
    %mul3A_56 = arith.mulf %add3A_49, %logistic3A_55 : vector<3200x64xf32>
    %slice3A_57 = vector.extract_strided_slice %get3A_4 {offsets = [5, 0], sizes = [1, 64], strides = [1, 1]} : vector<8x64xf32> to vector<1x64xf32>
    %mul3A_58 = vector.broadcast %slice3A_57 : vector<1x64xf32> to vector<3200x64xf32>
    %mul3A_59 = arith.mulf %mul3A_56, %mul3A_58 : vector<3200x64xf32>
    %reduce_sum3A_60 = arith.constant dense<0.000000e+00> : vector<3200xf32>
    %reduce_sum3A_61 = vector.multi_reduction <add>, %mul3A_59, %reduce_sum3A_60 [1] : vector<3200x64xf32> to vector<3200xf32>
    %broadcast_in_dim3A_62 = vector.shape_cast %reduce_sum3A_61 : vector<3200xf32> to vector<3200x1xf32>
    %sqrt3A = math.sqrt %broadcast_in_dim3A : vector<3200x1xf32>
    %add3A_63 = arith.constant 1.000000e-30 : f32
    %add3A_64 = vector.broadcast %add3A_63 : f32 to vector<3200x1xf32>
    %add3A_65 = arith.addf %sqrt3A, %add3A_64 : vector<3200x1xf32>
    %div3A = arith.divf %broadcast_in_dim3A_62, %add3A_65 : vector<3200x1xf32>
    %mul3A_66 = vector.broadcast %div3A : vector<3200x1xf32> to vector<3200x8xf32>
    %mul3A_67 = arith.mulf %slice3A_5, %mul3A_66 : vector<3200x8xf32>
    %broadcast_in_dim3A_68 = arith.constant 0.000000e+00 : f32
    %broadcast_in_dim3A_69 = vector.broadcast %broadcast_in_dim3A_68 : f32 to vector<3200x56xf32>
    %concatenate3A = tpu.concatenate %mul3A_41, %mul3A_67, %broadcast_in_dim3A_69 in 1 : vector<3200x64xf32>, vector<3200x8xf32>, vector<3200x56xf32> -> vector<3200x128xf32>
    %swap3A = arith.constant 0 : index
    %swap3A_70 = arith.constant 0 : index
    %swap3A_71 = vector.load %arg6[%swap3A, %swap3A_70] : memref<3200x128xf32, #tpu.memory_space<vmem>>, vector<3200x128xf32>
    tpu.vector_store %arg6[%swap3A, %swap3A_70], %concatenate3A {strides = array<i32>} : memref<3200x128xf32, #tpu.memory_space<vmem>>, vector<3200x128xf32>,
    return
  }
  func.func @transform_0(%arg0: i32) -> (i32, i32) {
    %c0_i32 = arith.constant 0 : i32
    %c0_i32_0 = arith.constant 0 : i32
    return %arg0, %c0_i32 : i32, i32
  }
  func.func @transform_1(%arg0: i32) -> (i32, i32) {
    %c0_i32 = arith.constant 0 : i32
    %c0_i32_0 = arith.constant 0 : i32
    return %arg0, %c0_i32 : i32, i32
  }
  func.func @transform_2(%arg0: i32) -> (i32, i32) {
    %c0_i32 = arith.constant 0 : i32
    %c0_i32_0 = arith.constant 0 : i32
    %c0_i32_1 = arith.constant 0 : i32
    return %c0_i32, %c0_i32_0 : i32, i32
  }
  func.func @transform_3(%arg0: i32) -> (i32, i32) {
    %c0_i32 = arith.constant 0 : i32
    %c0_i32_0 = arith.constant 0 : i32
    %c0_i32_1 = arith.constant 0 : i32
    return %c0_i32, %c0_i32_0 : i32, i32
  }
  func.func @transform_4(%arg0: i32) -> (i32, i32) {
    %c0_i32 = arith.constant 0 : i32
    %c0_i32_0 = arith.constant 0 : i32
    %c0_i32_1 = arith.constant 0 : i32
    return %c0_i32, %c0_i32_0 : i32, i32
  }
  func.func @transform_5(%arg0: i32) -> (i32, i32) {
    %c0_i32 = arith.constant 0 : i32
    %c0_i32_0 = arith.constant 0 : i32
    return %arg0, %c0_i32 : i32, i32
  }
}

</mosaic_0001>

<sc_bundles>
// kernel: closed_call.13.cloned.1.call-start
scs
__scs_entry_jumppad:
0x0: {  	(pc) =	sbr.rel $0x88, $3  }
0x1: {  	(tag) =	ssettag $0x0;
	lr =	simm.s32 $0x1  }
0x2: {  	[smem:$0x3F42] =	sst lr;
	_ =	strace $0xD0000000  }
0x3: {  	_ = 	snop  }
0x4: {  	_ = 	snop  }
0x5: {  	_ = 	snop  }
0x6: {  	_ = 	snop  }
0x7: {  	_ = 	snop  }
__scs_overlays_trampoline_lowered:
0x8: {  	[smem:$0x3F51] =	sst s0  }
0x9: {  	[smem:$0x3F52] =	sst s1  }
0xa: {  	[smem:$0x3F53] =	sst s2  }
0xb: {  	[smem:$0x3F54] =	sst s3  }
0xc: {  	[smem:$0x3F55] =	sst s4  }
0xd: {  	[smem:$0x3F56] =	sst s5  }
0xe: {  	[smem:$0x3F57] =	sst s6  }
0xf: {  	[smem:$0x3F58] =	sst s7  }
0x10: {  	[smem:$0x3F59] =	sst s8  }
0x11: {  	[smem:$0x3F5A] =	sst s9;
	s0 =	simm.s32 @!p0 $0x0  }
0x12: {  	s1 =	sld [smem:$0x3F40];
	s0 =	simm.s32 @p0 $0x1  }
0x13: {  	[smem:$0x3F5B] =	sst s0;
	s0 =	simm.s32 @!p1 $0x0  }
0x14: {  	s2 =	sld [smem:$0x3F3F];
	s0 =	simm.s32 @p1 $0x1  }
0x15: {  	[smem:$0x3F5C] =	sst s0;
	s0 =	simm.s32 @!p2 $0x0  }
0x16: {  	s3 =	sld [smem:$0x3FDB];
	s0 =	simm.s32 @p2 $0x1  }
0x17: {  	s4 =	simm.s32 $0x1BF5;
	[smem:$0x3F5E] =	sst s0  }
0x18: {  	s0 =	sld [smem:$0x3F41];
	_ =	swait.ge [sflag:s4], $0x0  }
0x19: {  	s7 =	sld [smem:$0x3F42]  }
0x1a: {  	s8 =	sadd.s32 $0xFFFFE003, lr  }
0x1b: {  	s9 =	sadd.s32 $0xFFFFFEF7, lr;
	s5 =	simm.s32 $0xFFFFFFFF;
	p2 =	slt.u32 s8, $0xFFFFF086  }
0x1c: {  	p1 =	slt.u32 s9, $0xF7A;
	s5 =	simm.s32 @!p2 $0x0  }
0x1d: {  	s5 =	simm.s32 @p1 $0x1;
	p0 =	seq.s32 s7, s2  }
0x1e: {  	s7 =	smul.u32 @!p0 $0xF7A, s2;
	p2 =	seq.s32 @!p0 s5, $0x0  }
0x1f: {  	s9 =	smul.u32 $0xF7A, s1;
	s8 =	simm.s32 @!p0 $0x1BF5;
	p2 =	por !p2, p0  }
0x20: {  	[sflag:s8] =	ssyncset.s32 @!p0 $0xFFFFF086;
	s6 =	sadd.s32 @!p0 s3, s7;
	s7 =	simm.s32 @!p0 $0x108  }
0x21: {  	s3 =	sadd.s32 s3, s9;
	s6 =	sadd.s32 @!p0 $0x88, s6;
	s7 =	simm.s32 @p2 $0x1082  }
0x22: {  	[simem:s7], [sflag:s8] =	dma.local @!p0 [hbm:s6], $0xF7A  }
0x23: {  	s9 =	sor.u32 $0xD0000000, s2;
	s6 =	simm.s32 $0x108;
	_ =	swait.ge @!p0 [sflag:s8], $0x0  }
0x24: {  	s3 =	sadd.s32 $0x88, s3;
	s6 =	simm.s32 @!p1 $0x1082;
	[sflag:s4] =	ssyncset.s32 $0xFFFFF086  }
0x25: {  	[simem:s6], [sflag:s4] =	dma.local [hbm:s3], $0xF7A  }
0x26: {  	[smem:$0x3F42] =	sst s1;
	(tag) =	ssettag s2;
	_ =	strace s9  }
0x27: {  	s1 =	sld [smem:$0x3F52]  }
0x28: {  	s2 =	sld [smem:$0x3F53]  }
0x29: {  	s4 =	sld [smem:$0x3F55]  }
0x2a: {  	p0 =	seq.s32 s5, $0x0;
	s5 =	sld [smem:$0x3F56]  }
0x2b: {  	s6 =	sld [smem:$0x3F57]  }
0x2c: {  	s7 =	sld [smem:$0x3F58]  }
0x2d: {  	s3 =	simm.s32 $0x108;
	s8 =	sld [smem:$0x3F59]  }
0x2e: {  	s3 =	simm.s32 @!p0 $0x1082;
	s9 =	sld [smem:$0x3F5A]  }
0x2f: {  	lr =	sadd.s32 s0, s3;
	s0 =	sld [smem:$0x3F51]  }
0x30: {  	s3 =	sld [smem:$0x3F54]  }
0x31: {  	[smem:$0x3F5D] =	sst s10  }
0x32: {  	s10 =	sld [smem:$0x3F5B];
	_ =	sdelay $0x3  }
0x33: {  	p0 =	seq.s32 s10, $0x1;
	s10 =	sld [smem:$0x3F5D];
	_ =	sdelay $0x3  }
0x34: {  	[smem:$0x3F5D] =	sst s10  }
0x35: {  	s10 =	sld [smem:$0x3F5C];
	_ =	sdelay $0x3  }
0x36: {  	p1 =	seq.s32 s10, $0x1;
	s10 =	sld [smem:$0x3F5D];
	_ =	sdelay $0x3  }
0x37: {  	[smem:$0x3F5D] =	sst s10  }
0x38: {  	s10 =	sld [smem:$0x3F5E]  }
0x39: {  	_ = 	snop;
	(pc) =	sbr.ind lr, $3  }
0x3a: {  	_ = 	snop  }
0x3b: {  	_ = 	snop  }
0x3c: {  	p2 =	seq.s32 s10, $0x1;
	s10 =	sld [smem:$0x3F5D]  }
0x3d: {  	_ =	shalt  }
0x3e: {  	_ =	shalt  }
0x3f: {  	_ =	shalt  }
0x40: {  	_ =	shalt  }
0x41: {  	_ =	shalt  }
0x42: {  	_ =	shalt  }
0x43: {  	_ =	shalt  }
0x44: {  	_ =	shalt  }
0x45: {  	_ =	shalt  }
0x46: {  	_ =	shalt  }
0x47: {  	_ =	shalt  }
0x48: {  	_ =	shalt  }
0x49: {  	_ =	shalt  }
0x4a: {  	_ =	shalt  }
0x4b: {  	_ =	shalt  }
0x4c: {  	_ =	shalt  }
0x4d: {  	_ =	shalt  }
0x4e: {  	_ =	shalt  }
0x4f: {  	_ =	shalt  }
0x50: {  	_ =	shalt  }
0x51: {  	_ =	shalt  }
0x52: {  	_ =	shalt  }
0x53: {  	_ =	shalt  }
0x54: {  	_ =	shalt  }
0x55: {  	_ =	shalt  }
0x56: {  	_ =	shalt  }
0x57: {  	_ =	shalt  }
0x58: {  	_ =	shalt  }
0x59: {  	_ =	shalt  }
0x5a: {  	_ =	shalt  }
0x5b: {  	_ =	shalt  }
0x5c: {  	_ =	shalt  }
0x5d: {  	_ =	shalt  }
0x5e: {  	_ =	shalt  }
0x5f: {  	_ =	shalt  }
0x60: {  	_ =	shalt  }
0x61: {  	_ =	shalt  }
0x62: {  	_ =	shalt  }
0x63: {  	_ =	shalt  }
0x64: {  	_ =	shalt  }
0x65: {  	_ =	shalt  }
0x66: {  	_ =	shalt  }
0x67: {  	_ =	shalt  }
0x68: {  	_ =	shalt  }
0x69: {  	_ =	shalt  }
0x6a: {  	_ =	shalt  }
0x6b: {  	_ =	shalt  }
0x6c: {  	_ =	shalt  }
0x6d: {  	_ =	shalt  }
0x6e: {  	_ =	shalt  }
0x6f: {  	_ =	shalt  }
0x70: {  	_ =	shalt  }
0x71: {  	_ =	shalt  }
0x72: {  	_ =	shalt  }
0x73: {  	_ =	shalt  }
0x74: {  	_ =	shalt  }
0x75: {  	_ =	shalt  }
0x76: {  	_ =	shalt  }
0x77: {  	_ =	shalt  }
0x78: {  	_ =	shalt  }
0x79: {  	_ =	shalt  }
0x7a: {  	_ =	shalt  }
0x7b: {  	_ =	shalt  }
0x7c: {  	_ =	shalt  }
0x7d: {  	_ =	shalt  }
0x7e: {  	_ =	shalt  }
0x7f: {  	_ =	shalt  }
0x80: {  	_ =	shalt  }
0x81: {  	_ =	shalt  }
0x82: {  	_ =	shalt  }
0x83: {  	_ =	shalt  }
0x84: {  	_ =	shalt  }
0x85: {  	_ =	shalt  }
0x86: {  	_ =	shalt  }
0x87: {  	_ =	shalt  }
.Lfunc_end0:
.L_simem_size_0:
called_computation_lowered:
.L_overlay_start_0:
0x88: {  	s2 =	sld [smem:$0x3FD9]  }
0x89: {  	s3 =	sld [smem:$0x3FFE];
	_ =	sdelay $0x1  }
0x8a: {  	s1 =	srdreg.scid  }
0x8b: {  	s0 =	sand.u32 $0x1, s1  }
0x8c: {  	s16 =	sshll.u32 s0, $0xA;
	s2 =	sadd.s32 s3, s2  }
0x8d: {  	s2 =	sadd.s32 s2, s16  }
0x8e: {  	[smem:$0x3F69] =	sst s2  }
0x8f: {  	_ = 	snop  }
0x90: {  	(tm) =	ssettm $0x1  }
0x91: {  	s17 =	sld [smem:$0x3FFB];
	_ =	sdelay $0x3  }
0x92: {  	_ =	strace s17  }
0x93: {  	s2 =	sld [smem:$0x3FFC];
	_ =	sdelay $0x3  }
0x94: {  	_ =	strace s2  }
0x95: {  	s2 =	sld [smem:$0x3FFD];
	_ =	sdelay $0x3  }
0x96: {  	_ =	strace s2  }
0x97: {  	_ =	strace $0x8FFFFFFF  }
0x98: {  	s18 =	sld [smem:$0x3FDB];
	_ =	sdelay $0x1  }
0x99: {  	s19 =	simm.s32 $_scs_section_size  }
0x9a: {  	s4 =	simm.s32 $_size__tile_overlayer_lowered;
	s5 =	simm.s32 $_tile_overlayer_lowered  }
0x9b: {  	s22 =	simm.s32 $0x1BFF;
	s21 =	sshll.u32 s5, $0x1;
	s2 =	sadd.s32 s19, s18  }
0x9c: {  	s6 =	simm.s32 $0x0;
	s20 =	sshll.u32 s4, $0x1;
	s4 =	sadd.s32 s21, s2  }
0x9d: {  	[timem:s6], [sflag:s22] =	dma.local [hbm:s4], s20  }
0x9e: {  	_ =	swait.ge [sflag:s22], s20  }
0x9f: {  	s3 =	ssub.s32 $0x0, s20;
	[sflag:s22] =	ssyncset.done $0x0  }
0xa0: {  	[sflag:s22] =	ssyncadd.s32 s3;
	_ =	sdelay $0x1  }
0xa1: {  	s23 =	simm.s32 $0x1B8B  }
0xa2: {  	_ =	swait.ge [sflag:s23], $0x1  }
0xa3: {  	[sflag:s23] =	ssyncset.done $0x0  }
0xa4: {  	s25 =	simm.s32 $0x1B8E;
	s24 =	sld [smem:$0x3FFE];
	[sflag:s23] =	ssyncadd.s32 $0xFFFFFFFF  }
0xa5: {  	s26 =	simm.s32 $execute0_lowered;
	[smem:$0x3FD2] =	sst s25  }
0xa6: {  	s4 =	sshll.u32 s26, $0x1;
	_ =	strace $0x80000046;
	[dreg:$0x1] =	wrdreg $0xFFFFFFFF  }
0xa7: {  	s28 =	simm.s32 $_size_execute0_lowered;
	s2 =	sadd.s32 s2, s4;
	[dreg:$0x0] =	wrdreg $0x0  }
0xa8: {  	s4 =	sshll.u32 s28, $0x1;
	[dreg:$0x2] =	wrdreg s2  }
0xa9: {  	[dreg:$0x3] =	wrdreg s4  }
0xaa: {  	[dreg:$0x4] =	wrdreg $0xC0  }
0xab: {  	_ =	task [dreg:s6], $0x5FFFF  }
0xac: {  	[dreg:$0x1] =	wrdreg $0xFFFFFFFF  }
0xad: {  	[dreg:$0x0] =	wrdreg $0x60  }
0xae: {  	[dreg:$0x2] =	wrdreg s24  }
0xaf: {  	[dreg:$0x3] =	wrdreg $0x9  }
0xb0: {  	_ =	task.clear_ibuf [dreg:s6], $0x4FFFF;
	_ =	strace $0x90000046  }
0xb1: {  	s29 =	simm.s32 $0x9;
	_ =	strace $0x80000048  }
0xb2: {  	_ =	swait.ge [sflag:s29], $0x1  }
0xb3: {  	[sflag:s29] =	ssyncadd.s32 $0xFFFFFFFF  }
0xb4: {  	_ =	strace $0x90000048  }
0xb5: {  	_ =	sfence  }
0xb6: {  	s30 =	sld [smem:$0x0];
	_ =	sdelay $0x2  }
0xb7: {  	s31 =	sshll.u32 s1, $0xD;
	s1 =	sshrl.u32 s1, $0x2  }
0xb8: {  	s3 =	sand.u32 $0x4000, s31;
	s1 =	sadd.s32 s1, s30  }
0xb9: {  	s0 =	sor.u32 s3, s0;
	s1 =	sshll.u32 s1, $0x11  }
0xba: {  	s0 =	sor.u32 s1, s0  }
0xbb: {  	s0 =	sadd.s32 $0x8F2B, s0  }
0xbc: {  	[sflag:s0] =	ssyncadd.remote.s32 $0x1  }
0xbd: {  	_ =	sfence.sel $0xFFFF  }
0xbe: {  	[dreg:$0x0] =	wrdreg $0xFFFFFFFF;
	(pc) =	sbr.abs _section_cstart, $3  }
0xbf: {  	[dreg:$0x1] =	wrdreg $0xFFFFFFFF  }
0xc0: {  	_ =	task.clear_ibuf [dreg:s6], $0x2FFFF;
	_ =	strace $0x9FFFFFFF  }
0xc1: {  	(tm) =	ssettm $0x7FFFFFFF  }
tec
execute0_lowered:
.L_overlay_start_1:
0x0: {  	(tag) =	ssettag $0x1  }
0x1: {  	s5 =	rddreg [dreg:$0x0];
	s1 =	srdreg.scid  }
0x2: {  	s0 =	rddreg [dreg:$0x1];
	s2 =	simm.s32 $0x0;
	s12 =	simm.s32 $0x4000  }
0x3: {  	s13 =	simm.s32 $0x50;
	s14 =	simm.s32 $0x8000;
	s15 =	simm.s32 $0xA800  }
0x4: {  	s16 =	simm.s32 $0xD000;
	s17 =	simm.s32 $0xF800;
	s18 =	simm.s32 $0x1  }
0x5: {  	s19 =	simm.s32 $0x2;
	s20 =	simm.s32 $0x3E00;
	s21 =	simm.s32 $0x7E00  }
0x6: {  	s22 =	simm.s32 $0x0;
	s4 =	sand.u32 $0x1, s1;
	[smem:$0x7FF] =	sst s2  }
0x7: {  	s1 =	stileid.u32;
	s3 =	sadd.s32 $0x58A600, s5;
	s6 =	sshll.u32 s4, $0x4  }
0x8: {  	_ =	strace $0x80000047;
	s7 =	ssub.s32 $0x2, s4;
	s8 =	sor.u32 s1, s6  }
0x9: {  	s4 =	sadd.s32 $0x563400, s5;
	s31 =	sshrl.u32 s7, $0x1;
	s9 =	smul.u32 $0x138800, s8  }
0xa: {  	s6 =	sshll.u32 s8, $0xB;
	s11 =	ssub.s32 s7, s31;
	s8 =	smul.u32 $0x2710, s8  }
0xb: {  	s10 =	sadd.s32 s6, s5;
	s5 =	sadd.s32 $0x5B1800, s5;
	s9 =	sshrl.u32 s9, $0x3  }
0xc: {  	s6 =	sadd.s32 $0x511800, s10;
	s7 =	sadd.s32 $0x521800, s10;
	s9 =	sadd.s32 s5, s9  }
0xd: {  	s10 =	smax.u32 s11, $0x1;
	s11 =	simm.s32 $0x3;
	s9 =	sadd.s32 $0x26C00, s9  }
.LBB2_1:
0xe: {  	[tilespmem:s2], [sflag:$0x3] =	stream.linear.gather [hbm4b:s6+s2], $0x3E80, $0x38;
	[tilespmem:$0x12000] =	vst v63  }
0xf: {  	_ =	swait.ge [sflag:s11], $0x3E80  }
0x10: {  	[sflag:s11] =	ssyncset.done $0x0  }
0x11: {  	[sflag:s11] =	ssyncadd.s32 $0xFFFFC180  }
0x12: {  	[tilespmem:s12], [sflag:$0x3] =	stream.linear.gather [hbm4b:s7+s2], $0x3E80, $0x38;
	[tilespmem:$0x12000] =	vst v63  }
0x13: {  	_ =	swait.ge [sflag:s11], $0x3E80  }
0x14: {  	[sflag:s11] =	ssyncset.done $0x0  }
0x15: {  	s23 =	simm.s32 $0x0;
	[sflag:s11] =	ssyncadd.s32 $0xFFFFC180  }
.LBB2_2:
0x16: {  	s25 =	sshll.u32 s23, $0x8  }
0x17: {  	[tilespmem:s14], [sflag:$0x1] =	stream.indirect.gather [hbm4b:s3+s13], $0x80, s25, s13, $0xb8;
	[tilespmem:$0x12000] =	vst v63  }
0x18: {  	s24 =	sshllo.u32 s23, $0x1;
	s25 =	sadd.s32 $0x4000, s25  }
0x19: {  	[tilespmem:s15], [sflag:$0x1] =	stream.indirect.gather [hbm4b:s4+s13], $0x80, s25, s13, $0xb8;
	[tilespmem:$0x12000] =	vst v63  }
0x1a: {  	s31 =	sshll.u32 s24, $0x7  }
0x1b: {  	[tilespmem:s16], [sflag:$0x1] =	stream.indirect.gather [hbm4b:s3+s13], $0x80, s31, s13, $0xb8;
	[tilespmem:$0x12000] =	vst v63  }
0x1c: {  	s25 =	sadd.s32 $0x4000, s31  }
0x1d: {  	[tilespmem:s17], [sflag:$0x1] =	stream.indirect.gather [hbm4b:s4+s13], $0x80, s25, s13, $0xb8;
	[tilespmem:$0x12000] =	vst v63  }
0x1e: {  	_ =	swait.ge [sflag:s18], $0x2800  }
0x1f: {  	[sflag:s18] =	ssyncset.done $0x0  }
0x20: {  	[sflag:s18] =	ssyncadd.s32 $0xFFFFD800  }
0x21: {  	_ =	swait.ge [sflag:s18], $0x2800  }
0x22: {  	[sflag:s18] =	ssyncset.done $0x0  }
0x23: {  	s25 =	simm.s32 $0x0;
	[sflag:s18] =	ssyncadd.s32 $0xFFFFD800  }
0x24: {  	v6 =	vld [tilespmem:s25+$0xA800]  }
0x25: {  	v11 =	vld [tilespmem:s25+$0xA810]  }
0x26: {  	v5 =	vld [tilespmem:s25+$0xA820]  }
0x27: {  	v4 =	vld [tilespmem:s25+$0xA830]  }
0x28: {  	v3 =	vld [tilespmem:s25+$0xA840]  }
0x29: {  	v2 =	vld [tilespmem:s25+$0xA850]  }
0x2a: {  	v1 =	vld [tilespmem:s25+$0xA860]  }
0x2b: {  	v0 =	vld [tilespmem:s25+$0xA870]  }
0x2c: {  	v12 =	vld [tilespmem:s25+$0x8000]  }
0x2d: {  	v13 =	vld [tilespmem:s25+$0x8010]  }
0x2e: {  	v10 =	vld [tilespmem:s25+$0x8020]  }
0x2f: {  	v9 =	vld [tilespmem:s25+$0x8030]  }
0x30: {  	v8 =	vld [tilespmem:s25+$0x8040]  }
0x31: {  	v7 =	vld [tilespmem:s25+$0x8050];
	v12 =	vadd.f32 v6, v12  }
0x32: {  	s26 =	simm.s32 $0x200;
	v11 =	vadd.f32 v11, v13;
	v6 =	vld [tilespmem:s25+$0x8060]  }
.LBB2_3:
0x33: {  	s28 =	sshra.s32 s26, $0x2;
	p0 =	sne.s32 s26, $0x9E00;
	[tilespmem:s25+$0x8000] =	vst v12;
	v5 =	vadd.f32 v5, v10;
	v10 =	vld [tilespmem:s25+$0x8070]  }
0x34: {  	v12 =	vld [tilespmem:s28+$0xA800];
	[tilespmem:s25+$0x8010] =	vst v11;
	v4 =	vadd.f32 v4, v9  }
0x35: {  	v11 =	vld [tilespmem:s28+$0xA810];
	[tilespmem:s25+$0x8020] =	vst v5;
	v3 =	vadd.f32 v3, v8  }
0x36: {  	v5 =	vld [tilespmem:s28+$0xA820];
	[tilespmem:s25+$0x8030] =	vst v4;
	v2 =	vadd.f32 v2, v7  }
0x37: {  	v4 =	vld [tilespmem:s28+$0xA830];
	[tilespmem:s25+$0x8040] =	vst v3;
	v1 =	vadd.f32 v1, v6  }
0x38: {  	v3 =	vld [tilespmem:s28+$0xA840];
	[tilespmem:s25+$0x8050] =	vst v2;
	v0 =	vadd.f32 v0, v10  }
0x39: {  	v2 =	vld [tilespmem:s28+$0xA850];
	[tilespmem:s25+$0x8060] =	vst v1  }
0x3a: {  	v1 =	vld [tilespmem:s28+$0xA860];
	[tilespmem:s25+$0x8070] =	vst v0;
	s25 =	smov.u32 s28  }
0x3b: {  	v0 =	vld [tilespmem:s25+$0xA870]  }
0x3c: {  	v6 =	vld [tilespmem:s25+$0x8000]  }
0x3d: {  	v13 =	vld [tilespmem:s25+$0x8010]  }
.Ltmp0:
0x3e: {  	v10 =	vld [tilespmem:s25+$0x8020];
	(pc) =	sbr.rel @p0 .LBB2_3-.Ltmp0, $4  }
0x3f: {  	v9 =	vld [tilespmem:s25+$0x8030]  }
0x40: {  	v8 =	vld [tilespmem:s25+$0x8040]  }
0x41: {  	v12 =	vadd.f32 v12, v6;
	v7 =	vld [tilespmem:s25+$0x8050]  }
0x42: {  	s26 =	sadd.s32 $0x200, s26;
	v11 =	vadd.f32 v11, v13;
	v6 =	vld [tilespmem:s25+$0x8060]  }
0x43: {  	[tilespmem:s25+$0x8000] =	vst v12;
	v5 =	vadd.f32 v5, v10;
	v10 =	vld [tilespmem:s25+$0x8070]  }
0x44: {  	[tilespmem:s25+$0x8010] =	vst v11;
	v4 =	vadd.f32 v4, v9  }
0x45: {  	[tilespmem:s25+$0x8020] =	vst v5;
	v3 =	vadd.f32 v3, v8  }
0x46: {  	s26 =	smul.u32 $0xA0, s23;
	[tilespmem:s25+$0x8030] =	vst v4;
	v2 =	vadd.f32 v2, v7  }
0x47: {  	[tilespmem:s25+$0x8040] =	vst v3;
	v1 =	vadd.f32 v1, v6  }
0x48: {  	s26 =	sadd.s32 s8, s26;
	[tilespmem:s25+$0x8050] =	vst v2;
	v0 =	vadd.f32 v0, v10  }
0x49: {  	s26 =	sshll.u32 s26, $0x4;
	[tilespmem:s25+$0x8060] =	vst v1  }
0x4a: {  	s31 =	simm.s32 $0x0;
	s30 =	sadd.s32 s5, s26;
	[tilespmem:s25+$0x8070] =	vst v0  }
0x4b: {  	[hbm4b:s30+s31] =	stream.linear.scatter [tilespmem:s14], [sflag:$0x2], $0x2800, $0x38;
	[tilespmem:$0x12000] =	vst v63  }
0x4c: {  	_ =	swait.ge [sflag:s18], $0x2800  }
0x4d: {  	[sflag:s18] =	ssyncset.done $0x0  }
0x4e: {  	[sflag:s18] =	ssyncadd.s32 $0xFFFFD800  }
0x4f: {  	_ =	swait.ge [sflag:s18], $0x2800  }
0x50: {  	[sflag:s18] =	ssyncset.done $0x0  }
0x51: {  	s25 =	simm.s32 $0x0;
	[sflag:s18] =	ssyncadd.s32 $0xFFFFD800  }
0x52: {  	v6 =	vld [tilespmem:s25+$0xF800]  }
0x53: {  	v11 =	vld [tilespmem:s25+$0xF810]  }
0x54: {  	v5 =	vld [tilespmem:s25+$0xF820]  }
0x55: {  	v4 =	vld [tilespmem:s25+$0xF830]  }
0x56: {  	v3 =	vld [tilespmem:s25+$0xF840]  }
0x57: {  	v2 =	vld [tilespmem:s25+$0xF850]  }
0x58: {  	v1 =	vld [tilespmem:s25+$0xF860]  }
0x59: {  	v0 =	vld [tilespmem:s25+$0xF870]  }
0x5a: {  	v12 =	vld [tilespmem:s25+$0xD000]  }
0x5b: {  	v13 =	vld [tilespmem:s25+$0xD010]  }
0x5c: {  	v10 =	vld [tilespmem:s25+$0xD020]  }
0x5d: {  	v9 =	vld [tilespmem:s25+$0xD030]  }
0x5e: {  	v8 =	vld [tilespmem:s25+$0xD040]  }
0x5f: {  	v7 =	vld [tilespmem:s25+$0xD050];
	v12 =	vadd.f32 v6, v12  }
0x60: {  	s26 =	simm.s32 $0x200;
	v11 =	vadd.f32 v11, v13;
	v6 =	vld [tilespmem:s25+$0xD060]  }
.LBB2_5:
0x61: {  	s28 =	sshra.s32 s26, $0x2;
	p0 =	sne.s32 s26, $0x9E00;
	[tilespmem:s25+$0xD000] =	vst v12;
	v5 =	vadd.f32 v5, v10;
	v10 =	vld [tilespmem:s25+$0xD070]  }
0x62: {  	v12 =	vld [tilespmem:s28+$0xF800];
	[tilespmem:s25+$0xD010] =	vst v11;
	v4 =	vadd.f32 v4, v9  }
0x63: {  	v11 =	vld [tilespmem:s28+$0xF810];
	[tilespmem:s25+$0xD020] =	vst v5;
	v3 =	vadd.f32 v3, v8  }
0x64: {  	v5 =	vld [tilespmem:s28+$0xF820];
	[tilespmem:s25+$0xD030] =	vst v4;
	v2 =	vadd.f32 v2, v7  }
0x65: {  	v4 =	vld [tilespmem:s28+$0xF830];
	[tilespmem:s25+$0xD040] =	vst v3;
	v1 =	vadd.f32 v1, v6  }
0x66: {  	v3 =	vld [tilespmem:s28+$0xF840];
	[tilespmem:s25+$0xD050] =	vst v2;
	v0 =	vadd.f32 v0, v10  }
0x67: {  	v2 =	vld [tilespmem:s28+$0xF850];
	[tilespmem:s25+$0xD060] =	vst v1  }
0x68: {  	v1 =	vld [tilespmem:s28+$0xF860];
	[tilespmem:s25+$0xD070] =	vst v0;
	s25 =	smov.u32 s28  }
0x69: {  	v0 =	vld [tilespmem:s25+$0xF870]  }
0x6a: {  	v6 =	vld [tilespmem:s25+$0xD000]  }
0x6b: {  	v13 =	vld [tilespmem:s25+$0xD010]  }
.Ltmp1:
0x6c: {  	v10 =	vld [tilespmem:s25+$0xD020];
	(pc) =	sbr.rel @p0 .LBB2_5-.Ltmp1, $4  }
0x6d: {  	v9 =	vld [tilespmem:s25+$0xD030]  }
0x6e: {  	v8 =	vld [tilespmem:s25+$0xD040]  }
0x6f: {  	v12 =	vadd.f32 v12, v6;
	v7 =	vld [tilespmem:s25+$0xD050]  }
0x70: {  	s26 =	sadd.s32 $0x200, s26;
	v11 =	vadd.f32 v11, v13;
	v6 =	vld [tilespmem:s25+$0xD060]  }
0x71: {  	[tilespmem:s25+$0xD000] =	vst v12;
	v5 =	vadd.f32 v5, v10;
	v63 =	vld [tilespmem:s25+$0xD070]  }
0x72: {  	[tilespmem:s25+$0xD010] =	vst v11;
	v4 =	vadd.f32 v4, v9  }
0x73: {  	[tilespmem:s25+$0xD020] =	vst v5;
	v3 =	vadd.f32 v3, v8  }
0x74: {  	s24 =	smul.u32 $0x50, s24;
	[tilespmem:s25+$0xD030] =	vst v4;
	v2 =	vadd.f32 v2, v7  }
0x75: {  	[tilespmem:s25+$0xD040] =	vst v3;
	v1 =	vadd.f32 v1, v6  }
0x76: {  	s24 =	sadd.s32 s8, s24;
	[tilespmem:s25+$0xD050] =	vst v2;
	v0 =	vadd.f32 v0, v63  }
0x77: {  	s24 =	sshll.u32 s24, $0x4;
	[tilespmem:s25+$0xD060] =	vst v1  }
0x78: {  	s23 =	sadd.s32 $0x1, s23;
	s24 =	sadd.s32 s5, s24;
	[tilespmem:s25+$0xD070] =	vst v0  }
0x79: {  	[hbm4b:s24+s2] =	stream.linear.scatter [tilespmem:s16], [sflag:$0x2], $0x2800, $0x38;
	[tilespmem:$0x12000] =	vst v63  }
0x7a: {  	p0 =	sne.s32 s23, $0x3E;
	_ =	swait.ge [sflag:s19], $0x2800  }
.Ltmp2:
0x7b: {  	[sflag:s19] =	ssyncset.done $0x0;
	(pc) =	sbr.rel @p0 .LBB2_2-.Ltmp2, $4  }
0x7c: {  	[sflag:s19] =	ssyncadd.s32 $0xFFFFD800  }
0x7d: {  	_ =	swait.ge [sflag:s19], $0x2800  }
0x7e: {  	[sflag:s19] =	ssyncset.done $0x0  }
0x7f: {  	[sflag:s19] =	ssyncadd.s32 $0xFFFFD800  }
0x80: {  	[tilespmem:s14], [sflag:$0x1] =	stream.indirect.gather [hbm4b:s3+s13], $0x80, s20, s13, $0xb8;
	[tilespmem:$0x12000] =	vst v63  }
0x81: {  	_ = 	snop  }
0x82: {  	[tilespmem:s15], [sflag:$0x1] =	stream.indirect.gather [hbm4b:s4+s13], $0x80, s21, s13, $0xb8;
	[tilespmem:$0x12000] =	vst v63  }
0x83: {  	_ =	swait.ge [sflag:s18], $0x2800  }
0x84: {  	[sflag:s18] =	ssyncset.done $0x0  }
0x85: {  	[sflag:s18] =	ssyncadd.s32 $0xFFFFD800  }
0x86: {  	_ =	swait.ge [sflag:s18], $0x2800  }
0x87: {  	[sflag:s18] =	ssyncset.done $0x0  }
0x88: {  	s23 =	simm.s32 $0x0;
	[sflag:s18] =	ssyncadd.s32 $0xFFFFD800  }
0x89: {  	v7 =	vld [tilespmem:s23+$0xA800]  }
0x8a: {  	v11 =	vld [tilespmem:s23+$0xA810]  }
0x8b: {  	v5 =	vld [tilespmem:s23+$0xA820]  }
0x8c: {  	v4 =	vld [tilespmem:s23+$0xA830]  }
0x8d: {  	v3 =	vld [tilespmem:s23+$0xA840]  }
0x8e: {  	v2 =	vld [tilespmem:s23+$0xA850]  }
0x8f: {  	v1 =	vld [tilespmem:s23+$0xA860]  }
0x90: {  	v0 =	vld [tilespmem:s23+$0xA870]  }
0x91: {  	v12 =	vld [tilespmem:s23+$0x8000]  }
0x92: {  	v13 =	vld [tilespmem:s23+$0x8010]  }
0x93: {  	v10 =	vld [tilespmem:s23+$0x8020]  }
0x94: {  	v9 =	vld [tilespmem:s23+$0x8030]  }
0x95: {  	v8 =	vld [tilespmem:s23+$0x8040]  }
0x96: {  	v6 =	vld [tilespmem:s23+$0x8050];
	v12 =	vadd.f32 v7, v12  }
0x97: {  	s24 =	simm.s32 $0x200;
	v11 =	vadd.f32 v11, v13;
	v7 =	vld [tilespmem:s23+$0x8060]  }
.LBB2_8:
0x98: {  	s25 =	sshra.s32 s24, $0x2;
	p0 =	sne.s32 s24, $0x9E00;
	[tilespmem:s23+$0x8000] =	vst v12;
	v5 =	vadd.f32 v5, v10;
	v10 =	vld [tilespmem:s23+$0x8070]  }
0x99: {  	v12 =	vld [tilespmem:s25+$0xA800];
	[tilespmem:s23+$0x8010] =	vst v11;
	v4 =	vadd.f32 v4, v9  }
0x9a: {  	v11 =	vld [tilespmem:s25+$0xA810];
	[tilespmem:s23+$0x8020] =	vst v5;
	v3 =	vadd.f32 v3, v8  }
0x9b: {  	v5 =	vld [tilespmem:s25+$0xA820];
	[tilespmem:s23+$0x8030] =	vst v4;
	v2 =	vadd.f32 v2, v6  }
0x9c: {  	v4 =	vld [tilespmem:s25+$0xA830];
	[tilespmem:s23+$0x8040] =	vst v3;
	v1 =	vadd.f32 v1, v7  }
0x9d: {  	v3 =	vld [tilespmem:s25+$0xA840];
	[tilespmem:s23+$0x8050] =	vst v2;
	v0 =	vadd.f32 v0, v10  }
0x9e: {  	v2 =	vld [tilespmem:s25+$0xA850];
	[tilespmem:s23+$0x8060] =	vst v1  }
0x9f: {  	v1 =	vld [tilespmem:s25+$0xA860];
	[tilespmem:s23+$0x8070] =	vst v0;
	s23 =	smov.u32 s25  }
0xa0: {  	v0 =	vld [tilespmem:s23+$0xA870]  }
0xa1: {  	v6 =	vld [tilespmem:s23+$0x8000]  }
0xa2: {  	v7 =	vld [tilespmem:s23+$0x8010]  }
.Ltmp3:
0xa3: {  	v10 =	vld [tilespmem:s23+$0x8020];
	(pc) =	sbr.rel @p0 .LBB2_8-.Ltmp3, $4  }
0xa4: {  	v9 =	vld [tilespmem:s23+$0x8030]  }
0xa5: {  	v8 =	vld [tilespmem:s23+$0x8040]  }
0xa6: {  	v12 =	vadd.f32 v12, v6;
	v6 =	vld [tilespmem:s23+$0x8050]  }
0xa7: {  	s24 =	sadd.s32 $0x200, s24;
	v11 =	vadd.f32 v11, v7;
	v7 =	vld [tilespmem:s23+$0x8060]  }
0xa8: {  	[tilespmem:s23+$0x8000] =	vst v12;
	v5 =	vadd.f32 v5, v10;
	v63 =	vld [tilespmem:s23+$0x8070]  }
0xa9: {  	[tilespmem:s23+$0x8010] =	vst v11;
	v4 =	vadd.f32 v4, v9  }
0xaa: {  	[tilespmem:s23+$0x8020] =	vst v5;
	v3 =	vadd.f32 v3, v8  }
0xab: {  	[tilespmem:s23+$0x8030] =	vst v4;
	v2 =	vadd.f32 v2, v6  }
0xac: {  	[tilespmem:s23+$0x8040] =	vst v3;
	v1 =	vadd.f32 v1, v7  }
0xad: {  	s22 =	sadd.s32 $0x1, s22;
	[tilespmem:s23+$0x8050] =	vst v2;
	v0 =	vadd.f32 v0, v63  }
0xae: {  	p0 =	sne.s32 s22, s10;
	[tilespmem:s23+$0x8060] =	vst v1  }
.Ltmp4:
0xaf: {  	[tilespmem:s23+$0x8070] =	vst v0;
	(pc) =	sbr.rel @p0 .LBB2_1-.Ltmp4, $4  }
0xb0: {  	[hbm4b:s9+s2] =	stream.linear.scatter [tilespmem:s14], [sflag:$0x3], $0x2800, $0x38;
	[tilespmem:$0x12000] =	vst v63  }
0xb1: {  	_ =	swait.ge [sflag:s11], $0x2800  }
0xb2: {  	[sflag:s11] =	ssyncset.done $0x0  }
0xb3: {  	[sflag:s11] =	ssyncadd.s32 $0xFFFFD800  }
0xb4: {  	_ =	sfence.sel $0x180000  }
0xb5: {  	[bflag:$0x0] =	sbarrier.arrive $0xFFFF  }
0xb6: {  	p0 =	sne.s32 s1, $0x0;
	_ =	strace $0x90000047  }
0xb7: {  	s0 =	sadd.s32 @!p0 $0x100000, s0;
	[bflag:$0x2] =	sbarrier.arrive $0xFFFF  }
0xb8: {  	[sflag:s0] =	ssyncadd.tile.s32 @!p0 $0x1;
	_ =	shalt  }
.Lfunc_end2:
_tile_overlayer_lowered:
.L_overlay_start_2:
0xb9: {  	(tag) =	ssettag $0x2  }
0xba: {  	s0 =	rddreg [dreg:$0x0];
	s2 =	stileid.u32  }
0xbb: {  	s1 =	rddreg [dreg:$0x1];
	p0 =	sne.s32 s2, $0x0  }
0xbc: {  	s3 =	rddreg [dreg:$0x2];
	[bflag:$0x3] =	sbarrier.arrive $0xFFFF;
	s2 =	simm.s32 @!p0 $0x1C03  }
0xbd: {  	[timem:s3], [sflag:s2] =	dma.local @!p0 [hbm:s0], s1  }
0xbe: {  	s0 =	simm.s32 @!p0 $0x3  }
0xbf: {  	_ =	swait.ge @!p0 [sflag:s0], s1  }
0xc0: {  	s1 =	ssub.s32 @!p0 $0x0, s1;
	[sflag:s0] =	ssyncset.done @!p0 $0x0  }
0xc1: {  	[sflag:s0] =	ssyncadd.s32 @!p0 s1  }
0xc2: {  	[bflag:$0x3] =	sbarrier.arrive $0xFFFF  }
0xc3: {  	_ =	shalt  }

// kernel: closed_call.16.cloned.1.call-start
scs
__scs_entry_jumppad:
0x0: {  	(pc) =	sbr.rel $0x88, $3  }
0x1: {  	(tag) =	ssettag $0x0;
	lr =	simm.s32 $0x1  }
0x2: {  	[smem:$0x3F42] =	sst lr;
	_ =	strace $0xD0000000  }
0x3: {  	_ = 	snop  }
0x4: {  	_ = 	snop  }
0x5: {  	_ = 	snop  }
0x6: {  	_ = 	snop  }
0x7: {  	_ = 	snop  }
__scs_overlays_trampoline_lowered:
0x8: {  	[smem:$0x3F51] =	sst s0  }
0x9: {  	[smem:$0x3F52] =	sst s1  }
0xa: {  	[smem:$0x3F53] =	sst s2  }
0xb: {  	[smem:$0x3F54] =	sst s3  }
0xc: {  	[smem:$0x3F55] =	sst s4  }
0xd: {  	[smem:$0x3F56] =	sst s5  }
0xe: {  	[smem:$0x3F57] =	sst s6  }
0xf: {  	[smem:$0x3F58] =	sst s7  }
0x10: {  	[smem:$0x3F59] =	sst s8  }
0x11: {  	[smem:$0x3F5A] =	sst s9;
	s0 =	simm.s32 @!p0 $0x0  }
0x12: {  	s1 =	sld [smem:$0x3F40];
	s0 =	simm.s32 @p0 $0x1  }
0x13: {  	[smem:$0x3F5B] =	sst s0;
	s0 =	simm.s32 @!p1 $0x0  }
0x14: {  	s2 =	sld [smem:$0x3F3F];
	s0 =	simm.s32 @p1 $0x1  }
0x15: {  	[smem:$0x3F5C] =	sst s0;
	s0 =	simm.s32 @!p2 $0x0  }
0x16: {  	s3 =	sld [smem:$0x3FDB];
	s0 =	simm.s32 @p2 $0x1  }
0x17: {  	s4 =	simm.s32 $0x1BF5;
	[smem:$0x3F5E] =	sst s0  }
0x18: {  	s0 =	sld [smem:$0x3F41];
	_ =	swait.ge [sflag:s4], $0x0  }
0x19: {  	s7 =	sld [smem:$0x3F42]  }
0x1a: {  	s8 =	sadd.s32 $0xFFFFE003, lr  }
0x1b: {  	s9 =	sadd.s32 $0xFFFFFEF7, lr;
	s5 =	simm.s32 $0xFFFFFFFF;
	p2 =	slt.u32 s8, $0xFFFFF086  }
0x1c: {  	p1 =	slt.u32 s9, $0xF7A;
	s5 =	simm.s32 @!p2 $0x0  }
0x1d: {  	s5 =	simm.s32 @p1 $0x1;
	p0 =	seq.s32 s7, s2  }
0x1e: {  	s7 =	smul.u32 @!p0 $0xF7A, s2;
	p2 =	seq.s32 @!p0 s5, $0x0  }
0x1f: {  	s9 =	smul.u32 $0xF7A, s1;
	s8 =	simm.s32 @!p0 $0x1BF5;
	p2 =	por !p2, p0  }
0x20: {  	[sflag:s8] =	ssyncset.s32 @!p0 $0xFFFFF086;
	s6 =	sadd.s32 @!p0 s3, s7;
	s7 =	simm.s32 @!p0 $0x108  }
0x21: {  	s3 =	sadd.s32 s3, s9;
	s6 =	sadd.s32 @!p0 $0x88, s6;
	s7 =	simm.s32 @p2 $0x1082  }
0x22: {  	[simem:s7], [sflag:s8] =	dma.local @!p0 [hbm:s6], $0xF7A  }
0x23: {  	s9 =	sor.u32 $0xD0000000, s2;
	s6 =	simm.s32 $0x108;
	_ =	swait.ge @!p0 [sflag:s8], $0x0  }
0x24: {  	s3 =	sadd.s32 $0x88, s3;
	s6 =	simm.s32 @!p1 $0x1082;
	[sflag:s4] =	ssyncset.s32 $0xFFFFF086  }
0x25: {  	[simem:s6], [sflag:s4] =	dma.local [hbm:s3], $0xF7A  }
0x26: {  	[smem:$0x3F42] =	sst s1;
	(tag) =	ssettag s2;
	_ =	strace s9  }
0x27: {  	s1 =	sld [smem:$0x3F52]  }
0x28: {  	s2 =	sld [smem:$0x3F53]  }
0x29: {  	s4 =	sld [smem:$0x3F55]  }
0x2a: {  	p0 =	seq.s32 s5, $0x0;
	s5 =	sld [smem:$0x3F56]  }
0x2b: {  	s6 =	sld [smem:$0x3F57]  }
0x2c: {  	s7 =	sld [smem:$0x3F58]  }
0x2d: {  	s3 =	simm.s32 $0x108;
	s8 =	sld [smem:$0x3F59]  }
0x2e: {  	s3 =	simm.s32 @!p0 $0x1082;
	s9 =	sld [smem:$0x3F5A]  }
0x2f: {  	lr =	sadd.s32 s0, s3;
	s0 =	sld [smem:$0x3F51]  }
0x30: {  	s3 =	sld [smem:$0x3F54]  }
0x31: {  	[smem:$0x3F5D] =	sst s10  }
0x32: {  	s10 =	sld [smem:$0x3F5B];
	_ =	sdelay $0x3  }
0x33: {  	p0 =	seq.s32 s10, $0x1;
	s10 =	sld [smem:$0x3F5D];
	_ =	sdelay $0x3  }
0x34: {  	[smem:$0x3F5D] =	sst s10  }
0x35: {  	s10 =	sld [smem:$0x3F5C];
	_ =	sdelay $0x3  }
0x36: {  	p1 =	seq.s32 s10, $0x1;
	s10 =	sld [smem:$0x3F5D];
	_ =	sdelay $0x3  }
0x37: {  	[smem:$0x3F5D] =	sst s10  }
0x38: {  	s10 =	sld [smem:$0x3F5E]  }
0x39: {  	_ = 	snop;
	(pc) =	sbr.ind lr, $3  }
0x3a: {  	_ = 	snop  }
0x3b: {  	_ = 	snop  }
0x3c: {  	p2 =	seq.s32 s10, $0x1;
	s10 =	sld [smem:$0x3F5D]  }
0x3d: {  	_ =	shalt  }
0x3e: {  	_ =	shalt  }
0x3f: {  	_ =	shalt  }
0x40: {  	_ =	shalt  }
0x41: {  	_ =	shalt  }
0x42: {  	_ =	shalt  }
0x43: {  	_ =	shalt  }
0x44: {  	_ =	shalt  }
0x45: {  	_ =	shalt  }
0x46: {  	_ =	shalt  }
0x47: {  	_ =	shalt  }
0x48: {  	_ =	shalt  }
0x49: {  	_ =	shalt  }
0x4a: {  	_ =	shalt  }
0x4b: {  	_ =	shalt  }
0x4c: {  	_ =	shalt  }
0x4d: {  	_ =	shalt  }
0x4e: {  	_ =	shalt  }
0x4f: {  	_ =	shalt  }
0x50: {  	_ =	shalt  }
0x51: {  	_ =	shalt  }
0x52: {  	_ =	shalt  }
0x53: {  	_ =	shalt  }
0x54: {  	_ =	shalt  }
0x55: {  	_ =	shalt  }
0x56: {  	_ =	shalt  }
0x57: {  	_ =	shalt  }
0x58: {  	_ =	shalt  }
0x59: {  	_ =	shalt  }
0x5a: {  	_ =	shalt  }
0x5b: {  	_ =	shalt  }
0x5c: {  	_ =	shalt  }
0x5d: {  	_ =	shalt  }
0x5e: {  	_ =	shalt  }
0x5f: {  	_ =	shalt  }
0x60: {  	_ =	shalt  }
0x61: {  	_ =	shalt  }
0x62: {  	_ =	shalt  }
0x63: {  	_ =	shalt  }
0x64: {  	_ =	shalt  }
0x65: {  	_ =	shalt  }
0x66: {  	_ =	shalt  }
0x67: {  	_ =	shalt  }
0x68: {  	_ =	shalt  }
0x69: {  	_ =	shalt  }
0x6a: {  	_ =	shalt  }
0x6b: {  	_ =	shalt  }
0x6c: {  	_ =	shalt  }
0x6d: {  	_ =	shalt  }
0x6e: {  	_ =	shalt  }
0x6f: {  	_ =	shalt  }
0x70: {  	_ =	shalt  }
0x71: {  	_ =	shalt  }
0x72: {  	_ =	shalt  }
0x73: {  	_ =	shalt  }
0x74: {  	_ =	shalt  }
0x75: {  	_ =	shalt  }
0x76: {  	_ =	shalt  }
0x77: {  	_ =	shalt  }
0x78: {  	_ =	shalt  }
0x79: {  	_ =	shalt  }
0x7a: {  	_ =	shalt  }
0x7b: {  	_ =	shalt  }
0x7c: {  	_ =	shalt  }
0x7d: {  	_ =	shalt  }
0x7e: {  	_ =	shalt  }
0x7f: {  	_ =	shalt  }
0x80: {  	_ =	shalt  }
0x81: {  	_ =	shalt  }
0x82: {  	_ =	shalt  }
0x83: {  	_ =	shalt  }
0x84: {  	_ =	shalt  }
0x85: {  	_ =	shalt  }
0x86: {  	_ =	shalt  }
0x87: {  	_ =	shalt  }
.Lfunc_end0:
.L_simem_size_0:
called_computation.1_lowered:
.L_overlay_start_0:
0x88: {  	s2 =	sld [smem:$0x3FD9]  }
0x89: {  	s3 =	sld [smem:$0x3FFE];
	_ =	sdelay $0x1  }
0x8a: {  	s1 =	srdreg.scid  }
0x8b: {  	s0 =	sand.u32 $0x1, s1  }
0x8c: {  	s16 =	sshll.u32 s0, $0xA;
	s2 =	sadd.s32 s3, s2  }
0x8d: {  	s2 =	sadd.s32 s2, s16  }
0x8e: {  	[smem:$0x3F69] =	sst s2  }
0x8f: {  	_ = 	snop  }
0x90: {  	(tm) =	ssettm $0x1  }
0x91: {  	s17 =	sld [smem:$0x3FFB];
	_ =	sdelay $0x3  }
0x92: {  	_ =	strace s17  }
0x93: {  	s2 =	sld [smem:$0x3FFC];
	_ =	sdelay $0x3  }
0x94: {  	_ =	strace s2  }
0x95: {  	s2 =	sld [smem:$0x3FFD];
	_ =	sdelay $0x3  }
0x96: {  	_ =	strace s2  }
0x97: {  	_ =	strace $0x8FFFFFFF  }
0x98: {  	s18 =	sld [smem:$0x3FDB];
	_ =	sdelay $0x1  }
0x99: {  	s19 =	simm.s32 $_scs_section_size  }
0x9a: {  	s4 =	simm.s32 $_size__tile_overlayer_lowered;
	s5 =	simm.s32 $_tile_overlayer_lowered  }
0x9b: {  	s22 =	simm.s32 $0x1BFF;
	s21 =	sshll.u32 s5, $0x1;
	s2 =	sadd.s32 s19, s18  }
0x9c: {  	s6 =	simm.s32 $0x0;
	s20 =	sshll.u32 s4, $0x1;
	s4 =	sadd.s32 s21, s2  }
0x9d: {  	[timem:s6], [sflag:s22] =	dma.local [hbm:s4], s20  }
0x9e: {  	_ =	swait.ge [sflag:s22], s20  }
0x9f: {  	s3 =	ssub.s32 $0x0, s20;
	[sflag:s22] =	ssyncset.done $0x0  }
0xa0: {  	[sflag:s22] =	ssyncadd.s32 s3;
	_ =	sdelay $0x1  }
0xa1: {  	s23 =	simm.s32 $0x1B8B  }
0xa2: {  	_ =	swait.ge [sflag:s23], $0x1  }
0xa3: {  	[sflag:s23] =	ssyncset.done $0x0  }
0xa4: {  	s25 =	simm.s32 $0x1B8E;
	s24 =	sld [smem:$0x3FFE];
	[sflag:s23] =	ssyncadd.s32 $0xFFFFFFFF  }
0xa5: {  	s26 =	simm.s32 $execute0_lowered;
	[smem:$0x3FD2] =	sst s25  }
0xa6: {  	s4 =	sshll.u32 s26, $0x1;
	_ =	strace $0x80000049;
	[dreg:$0x1] =	wrdreg $0xFFFFFFFF  }
0xa7: {  	s28 =	simm.s32 $_size_execute0_lowered;
	s2 =	sadd.s32 s2, s4;
	[dreg:$0x0] =	wrdreg $0x0  }
0xa8: {  	s4 =	sshll.u32 s28, $0x1;
	[dreg:$0x2] =	wrdreg s2  }
0xa9: {  	[dreg:$0x3] =	wrdreg s4  }
0xaa: {  	[dreg:$0x4] =	wrdreg $0xC0  }
0xab: {  	_ =	task [dreg:s6], $0x5FFFF  }
0xac: {  	[dreg:$0x1] =	wrdreg $0xFFFFFFFF  }
0xad: {  	[dreg:$0x0] =	wrdreg $0x60  }
0xae: {  	[dreg:$0x2] =	wrdreg s24  }
0xaf: {  	[dreg:$0x3] =	wrdreg $0xD4000  }
0xb0: {  	[dreg:$0x4] =	wrdreg $0x9  }
0xb1: {  	_ =	task.clear_ibuf [dreg:s6], $0x5FFFF;
	_ =	strace $0x90000049  }
0xb2: {  	s29 =	simm.s32 $0x9;
	_ =	strace $0x8000004B  }
0xb3: {  	_ =	swait.ge [sflag:s29], $0x1  }
0xb4: {  	[sflag:s29] =	ssyncadd.s32 $0xFFFFFFFF  }
0xb5: {  	_ =	strace $0x9000004B  }
0xb6: {  	_ =	sfence  }
0xb7: {  	s30 =	sld [smem:$0x0];
	_ =	sdelay $0x2  }
0xb8: {  	s31 =	sshll.u32 s1, $0xD;
	s1 =	sshrl.u32 s1, $0x2  }
0xb9: {  	s3 =	sand.u32 $0x4000, s31;
	s1 =	sadd.s32 s1, s30  }
0xba: {  	s0 =	sor.u32 s3, s0;
	s1 =	sshll.u32 s1, $0x11  }
0xbb: {  	s0 =	sor.u32 s1, s0  }
0xbc: {  	s0 =	sadd.s32 $0x8F2B, s0  }
0xbd: {  	[sflag:s0] =	ssyncadd.remote.s32 $0x1  }
0xbe: {  	_ =	sfence.sel $0xFFFF  }
0xbf: {  	[dreg:$0x0] =	wrdreg $0xFFFFFFFF;
	(pc) =	sbr.abs _section_cstart, $3  }
0xc0: {  	[dreg:$0x1] =	wrdreg $0xFFFFFFFF  }
0xc1: {  	_ =	task.clear_ibuf [dreg:s6], $0x2FFFF;
	_ =	strace $0x9FFFFFFF  }
0xc2: {  	(tm) =	ssettm $0x7FFFFFFF  }
0xc3: {  	_ =	shalt  }
tec
execute0_lowered:
.L_overlay_start_1:
0x0: {  	(tag) =	ssettag $0x1  }
0x1: {  	s4 =	rddreg [dreg:$0x0];
	s0 =	stileid.u32  }
0x2: {  	s1 =	srdreg.scid;
	s2 =	rddreg [dreg:$0x1]  }
0x3: {  	s3 =	simm.s32 $0x0;
	s11 =	simm.s32 $0x3;
	s12 =	simm.s32 $0x8000  }
0x4: {  	s13 =	simm.s32 $0xA800;
	s14 =	simm.s32 $0x1;
	s15 =	simm.s32 $0x50  }
0x5: {  	s16 =	simm.s32 $0x2;
	s19 =	simm.s32 $0x0;
	s5 =	smul.u32 $0x4E200, s0  }
0x6: {  	s6 =	sand.u32 $0x1, s1;
	s1 =	rddreg [dreg:$0x2];
	s8 =	smul.u32 $0x3E80, s0  }
0x7: {  	[smem:$0x7FF] =	sst s3;
	s29 =	sshll.u32 s0, $0xC;
	s30 =	smul.u32 $0x7D000, s0  }
0x8: {  	p0 =	sgt.u32 s0, $0x4;
	p1 =	sne.s32 s0, $0x5;
	s7 =	smul.u32 $0x13880, s6  }
0x9: {  	_ =	strace $0x8000004A;
	s31 =	ssub.s32 $0x2, s6;
	s6 =	sshll.u32 s6, $0x10  }
0xa: {  	s17 =	sshll.u32 @!p0 s0, $0x6;
	s9 =	sadd.s32 s5, s4;
	s5 =	sadd.s32 s29, s4  }
0xb: {  	s10 =	sshrl.u32 s31, $0x1;
	s17 =	sor.u32 @!p0 $0x1C03, s17;
	s7 =	sadd.s32 s8, s7  }
0xc: {  	s8 =	sshrl.u32 s30, $0x2;
	s10 =	ssub.s32 s31, s10;
	s6 =	sadd.s32 s6, s5  }
0xd: {  	s5 =	sadd.s32 $0x9C400, s2;
	s9 =	sadd.s32 $0xA93800, s9;
	s7 =	sadd.s32 s7, s4  }
0xe: {  	s4 =	sadd.s32 s8, s2;
	s6 =	sadd.s32 $0xD200, s6;
	s8 =	smax.u32 s10, $0x1  }
0xf: {  	v0 =	vimm.f32 $0.0e+00;
	s10 =	simm.s32 $0xD000;
	s7 =	sadd.s32 $0x563400, s7;
	s18 =	sshrl.u32 @!p0 s4, $0x3  }
.LBB2_1:
0x10: {  	[tilespmem:$0xD000] =	vst v0  }
0x11: {  	[tilespmem:$0xD010] =	vst v0  }
0x12: {  	[tilespmem:$0xD020] =	vst v0  }
0x13: {  	[tilespmem:$0xD030] =	vst v0  }
0x14: {  	[tilespmem:$0xD040] =	vst v0  }
0x15: {  	[tilespmem:$0xD050] =	vst v0  }
0x16: {  	[tilespmem:$0xD060] =	vst v0  }
0x17: {  	[tilespmem:$0xD070] =	vst v0  }
0x18: {  	[tilespmem:$0xD080] =	vst v0  }
0x19: {  	[tilespmem:$0xD090] =	vst v0  }
0x1a: {  	[tilespmem:$0xD0A0] =	vst v0  }
0x1b: {  	[tilespmem:$0xD0B0] =	vst v0  }
0x1c: {  	[tilespmem:$0xD0C0] =	vst v0  }
0x1d: {  	[tilespmem:$0xD0D0] =	vst v0  }
0x1e: {  	[tilespmem:$0xD0E0] =	vst v0  }
0x1f: {  	[tilespmem:$0xD0F0] =	vst v0  }
0x20: {  	[tilespmem:$0xD100] =	vst v0  }
0x21: {  	[tilespmem:$0xD110] =	vst v0  }
0x22: {  	[tilespmem:$0xD120] =	vst v0  }
0x23: {  	[tilespmem:$0xD130] =	vst v0  }
0x24: {  	[tilespmem:$0xD140] =	vst v0  }
0x25: {  	[tilespmem:$0xD150] =	vst v0  }
0x26: {  	[tilespmem:$0xD160] =	vst v0  }
0x27: {  	[tilespmem:$0xD170] =	vst v0  }
0x28: {  	[tilespmem:$0xD180] =	vst v0  }
0x29: {  	[tilespmem:$0xD190] =	vst v0  }
0x2a: {  	[tilespmem:$0xD1A0] =	vst v0  }
0x2b: {  	[tilespmem:$0xD1B0] =	vst v0  }
0x2c: {  	[tilespmem:$0xD1C0] =	vst v0  }
0x2d: {  	[tilespmem:$0xD1D0] =	vst v0  }
0x2e: {  	[tilespmem:$0xD1E0] =	vst v0  }
0x2f: {  	[tilespmem:$0xD1F0] =	vst v0  }
0x30: {  	[tilespmem:$0xD200] =	vst v0  }
0x31: {  	[tilespmem:$0xD210] =	vst v0  }
0x32: {  	[tilespmem:$0xD220] =	vst v0  }
0x33: {  	[tilespmem:$0xD230] =	vst v0  }
0x34: {  	[tilespmem:$0xD240] =	vst v0  }
0x35: {  	[tilespmem:$0xD250] =	vst v0  }
0x36: {  	[tilespmem:$0xD260] =	vst v0  }
0x37: {  	[tilespmem:$0xD270] =	vst v0  }
0x38: {  	[tilespmem:$0xD280] =	vst v0  }
0x39: {  	[tilespmem:$0xD290] =	vst v0  }
0x3a: {  	[tilespmem:$0xD2A0] =	vst v0  }
0x3b: {  	[tilespmem:$0xD2B0] =	vst v0  }
0x3c: {  	[tilespmem:$0xD2C0] =	vst v0  }
0x3d: {  	[tilespmem:$0xD2D0] =	vst v0  }
0x3e: {  	[tilespmem:$0xD2E0] =	vst v0  }
0x3f: {  	[tilespmem:$0xD2F0] =	vst v0  }
0x40: {  	[tilespmem:$0xD300] =	vst v0  }
0x41: {  	[tilespmem:$0xD310] =	vst v0  }
0x42: {  	[tilespmem:$0xD320] =	vst v0  }
0x43: {  	[tilespmem:$0xD330] =	vst v0  }
0x44: {  	[tilespmem:$0xD340] =	vst v0  }
0x45: {  	[tilespmem:$0xD350] =	vst v0  }
0x46: {  	[tilespmem:$0xD360] =	vst v0  }
0x47: {  	[tilespmem:$0xD370] =	vst v0  }
0x48: {  	[tilespmem:$0xD380] =	vst v0  }
0x49: {  	[tilespmem:$0xD390] =	vst v0  }
0x4a: {  	[tilespmem:$0xD3A0] =	vst v0  }
.Ltmp0:
0x4b: {  	[tilespmem:$0xD3B0] =	vst v0;
	(pc) =	sbr.rel @p0 .LBB2_5-.Ltmp0, $4  }
0x4c: {  	[tilespmem:$0xD3C0] =	vst v0  }
0x4d: {  	[tilespmem:$0xD3D0] =	vst v0  }
0x4e: {  	[tilespmem:$0xD3E0] =	vst v0  }
0x4f: {  	[tilespmem:$0xD3F0] =	vst v0  }
0x50: {  	s20 =	sadd.s32 $0x0, s4  }
0x51: {  	[spmem:s20] =	stream.linear.scatter [tilespmem:s10], [sflag:$0x3], $0x400, $0x38;
	[tilespmem:$0x17080] =	vst v63  }
0x52: {  	s20 =	simm.s32 $0x1000;
	_ =	swait.ge [sflag:s11], $0x400  }
.LBB2_3:
0x53: {  	s21 =	sshra.s32 s20, $0x2;
	[sflag:s11] =	ssyncset.done $0x0;
	p2 =	seq.s32 s20, $0x7C000  }
.Ltmp1:
0x54: {  	s21 =	sadd.s32 s21, s4;
	[sflag:s11] =	ssyncadd.s32 $0xFFFFFC00;
	(pc) =	sbr.rel @!p2 .LBB2_3-.Ltmp1, $3  }
0x55: {  	[spmem:s21] =	stream.linear.scatter [tilespmem:s10], [sflag:$0x3], $0x400, $0x38;
	[tilespmem:$0x17080] =	vst v63  }
0x56: {  	s20 =	sadd.s32 $0x1000, s20;
	_ =	sdelay $0x1  }
0x57: {  	_ =	swait.ge [sflag:s11], $0x400  }
.Ltmp2:
0x58: {  	(pc) =	sbr.rel .LBB2_6-.Ltmp2, $3  }
0x59: {  	_ =	sdelay $0x1  }
0x5a: {  	[sflag:s11] =	ssyncset.done $0x0  }
0x5b: {  	[sflag:s11] =	ssyncadd.s32 $0xFFFFFC00  }
.LBB2_5:
0x5c: {  	s20 =	simm.s32 @!p1 $0xD000  }
0x5d: {  	[spmem:s5] =	stream.linear.scatter @!p1 [tilespmem:s20], [sflag:$0x3], $0x400, $0x38;
	[tilespmem:$0x17080] =	vst v63  }
0x5e: {  	s20 =	simm.s32 @!p1 $0x3  }
0x5f: {  	_ =	swait.ge @!p1 [sflag:s20], $0x400  }
0x60: {  	[sflag:s20] =	ssyncset.done @!p1 $0x0  }
0x61: {  	[sflag:s20] =	ssyncadd.s32 @!p1 $0xFFFFFC00  }
.LBB2_6:
0x62: {  	[bflag:$0x0] =	sbarrier.arrive $0xFFFF;
	s20 =	simm.s32 $0x0  }
0x63: {  	[tilespmem:s20], [sflag:$0x3] =	stream.linear.gather [hbm4b:s6+s20], $0x7D00, $0x38;
	[tilespmem:$0x17080] =	vst v63  }
0x64: {  	_ =	swait.ge [sflag:s11], $0x7D00  }
0x65: {  	[sflag:s11] =	ssyncset.done $0x0  }
0x66: {  	[sflag:s11] =	ssyncadd.s32 $0xFFFF8300  }
0x67: {  	[tilespmem:s12], [sflag:$0x1] =	stream.linear.gather [hbm4b:s9+s3], $0x2800, $0x38;
	[tilespmem:$0x17080] =	vst v63  }
0x68: {  	s29 =	sadd.s32 $0x500, s9  }
0x69: {  	[tilespmem:s13], [sflag:$0x1] =	stream.linear.gather [hbm4b:s29+s3], $0x2800, $0x38;
	[tilespmem:$0x17080] =	vst v63  }
0x6a: {  	_ =	swait.ge [sflag:s14], $0x2800  }
0x6b: {  	[sflag:s14] =	ssyncset.done $0x0  }
0x6c: {  	s30 =	simm.s32 $0x0;
	[sflag:s14] =	ssyncadd.s32 $0xFFFFD800  }
0x6d: {  	[spmem:s2] =	stream.indirect.scatter.add.f32 [tilespmem:s12], [sflag:$0x2], $0x80, s30, s15, $0xb8;
	[tilespmem:$0x17080] =	vst v63  }
0x6e: {  	_ =	swait.ge [sflag:s14], $0x2800  }
0x6f: {  	[sflag:s14] =	ssyncset.done $0x0  }
0x70: {  	s31 =	simm.s32 $0x80;
	[sflag:s14] =	ssyncadd.s32 $0xFFFFD800  }
0x71: {  	[spmem:s2] =	stream.indirect.scatter.add.f32 [tilespmem:s13], [sflag:$0x2], $0x80, s31, s15, $0xb8;
	[tilespmem:$0x17080] =	vst v63  }
0x72: {  	_ =	swait.ge [sflag:s16], $0x2800  }
0x73: {  	[sflag:s16] =	ssyncset.done $0x0  }
0x74: {  	[sflag:s16] =	ssyncadd.s32 $0xFFFFD800  }
0x75: {  	_ =	swait.ge [sflag:s16], $0x2800  }
0x76: {  	s21 =	smov.u32 s9;
	s20 =	simm.s32 $0x400;
	[sflag:s16] =	ssyncset.done $0x0  }
.LBB2_7:
0x77: {  	p2 =	sne.s32 s20, $0x1F000;
	[sflag:s16] =	ssyncadd.s32 $0xFFFFD800;
	s21 =	sadd.s32 $0xA00, s21  }
0x78: {  	[tilespmem:s12], [sflag:$0x1] =	stream.linear.gather [hbm4b:s21+s3], $0x2800, $0x38;
	[tilespmem:$0x17080] =	vst v63  }
0x79: {  	s23 =	smov.u32 s20;
	s20 =	sadd.s32 $0x400, s20;
	s22 =	sadd.s32 $0x500, s21  }
0x7a: {  	[tilespmem:s13], [sflag:$0x1] =	stream.linear.gather [hbm4b:s22+s3], $0x2800, $0x38;
	[tilespmem:$0x17080] =	vst v63  }
0x7b: {  	_ =	swait.ge [sflag:s14], $0x2800  }
0x7c: {  	[sflag:s14] =	ssyncset.done $0x0  }
0x7d: {  	s22 =	sshra.s32 s23, $0x2;
	[sflag:s14] =	ssyncadd.s32 $0xFFFFD800  }
0x7e: {  	[spmem:s2] =	stream.indirect.scatter.add.f32 [tilespmem:s12], [sflag:$0x2], $0x80, s22, s15, $0xb8;
	[tilespmem:$0x17080] =	vst v63  }
0x7f: {  	_ =	swait.ge [sflag:s14], $0x2800  }
0x80: {  	[sflag:s14] =	ssyncset.done $0x0  }
0x81: {  	s22 =	sadd.s32 $0x80, s22;
	[sflag:s14] =	ssyncadd.s32 $0xFFFFD800  }
0x82: {  	[spmem:s2] =	stream.indirect.scatter.add.f32 [tilespmem:s13], [sflag:$0x2], $0x80, s22, s15, $0xb8;
	[tilespmem:$0x17080] =	vst v63  }
.Ltmp3:
0x83: {  	_ =	swait.ge [sflag:s16], $0x2800;
	(pc) =	sbr.rel @p2 .LBB2_7-.Ltmp3, $4  }
0x84: {  	[sflag:s16] =	ssyncset.done $0x0  }
0x85: {  	[sflag:s16] =	ssyncadd.s32 $0xFFFFD800  }
0x86: {  	_ =	swait.ge [sflag:s16], $0x2800  }
0x87: {  	[sflag:s16] =	ssyncset.done $0x0  }
0x88: {  	s19 =	sadd.s32 $0x1, s19  }
0x89: {  	[sflag:s16] =	ssyncadd.s32 $0xFFFFD800;
	p2 =	sne.s32 s19, s8  }
.Ltmp4:
0x8a: {  	s20 =	simm.s32 @!p0 $0x3;
	[bflag:$0x0] =	sbarrier.arrive $0xFFFF;
	(pc) =	sbr.rel @p2 .LBB2_1-.Ltmp4, $4  }
0x8b: {  	[hbm:s7], [sflag:s17] =	dma.local @!p0 [spmem:s18], $0x3E80  }
0x8c: {  	_ =	swait.ge @!p0 [sflag:s20], $0x3E80  }
0x8d: {  	[sflag:s20] =	ssyncset.done @!p0 $0x0  }
0x8e: {  	[sflag:s20] =	ssyncadd.s32 @!p0 $0xFFFFC180  }
0x8f: {  	_ =	sfence.sel $0x180000  }
0x90: {  	[bflag:$0x0] =	sbarrier.arrive $0xFFFF  }
0x91: {  	p0 =	sne.s32 s0, $0x0;
	_ =	strace $0x9000004A  }
0x92: {  	s0 =	sadd.s32 @!p0 $0x100000, s1;
	[bflag:$0x2] =	sbarrier.arrive $0xFFFF  }
0x93: {  	[sflag:s0] =	ssyncadd.tile.s32 @!p0 $0x1;
	_ =	shalt  }
.Lfunc_end2:
_tile_overlayer_lowered:
.L_overlay_start_2:
0x94: {  	(tag) =	ssettag $0x2  }
0x95: {  	s0 =	rddreg [dreg:$0x0];
	s2 =	stileid.u32  }
0x96: {  	s1 =	rddreg [dreg:$0x1];
	p0 =	sne.s32 s2, $0x0  }
0x97: {  	s3 =	rddreg [dreg:$0x2];
	[bflag:$0x3] =	sbarrier.arrive $0xFFFF;
	s2 =	simm.s32 @!p0 $0x1C03  }
0x98: {  	[timem:s3], [sflag:s2] =	dma.local @!p0 [hbm:s0], s1  }
0x99: {  	s0 =	simm.s32 @!p0 $0x3  }
0x9a: {  	_ =	swait.ge @!p0 [sflag:s0], s1  }
0x9b: {  	s1 =	ssub.s32 @!p0 $0x0, s1;
	[sflag:s0] =	ssyncset.done @!p0 $0x0  }
0x9c: {  	[sflag:s0] =	ssyncadd.s32 @!p0 s1  }
0x9d: {  	[bflag:$0x3] =	sbarrier.arrive $0xFFFF  }
0x9e: {  	_ =	shalt  }

</sc_bundles>
